<compile_context>
chip_gen: v7x
topology: tpu7x:2x2x1
jax: 0.10.2.dev20260603
libtpu: 0.0.44.dev20260713+nightly
codegen_flags: <defaults>
</compile_context>

<pallas_src>
import functools

import jax
import jax.numpy as jnp
from jax import lax
from jax.experimental import pallas as pl
from jax.experimental.pallas import tpu as pltpu
from jax.experimental.pallas import tpu_sc as plsc

NUM_CORES = 2
NUM_SUBCORES = 16
NUM_WORKERS = NUM_CORES * NUM_SUBCORES
CHUNK_ROWS = 32
LANES = 16
UNROLL = 16


def kernel(x, embedding_weight):
    batch, seq_len, hidden = x.shape
    rows = batch * seq_len
    seq_per_worker = seq_len // NUM_WORKERS
    num_chunks = seq_per_worker // CHUNK_ROWS
    ce = CHUNK_ROWS * hidden
    xf = x.reshape(rows * hidden)
    wf = embedding_weight.reshape(seq_len * hidden)

    @functools.partial(
        pl.kernel,
        mesh=plsc.VectorSubcoreMesh(core_axis_name="c", subcore_axis_name="s"),
        out_type=jax.ShapeDtypeStruct((rows * hidden,), x.dtype),
        scratch_types=[
            pltpu.VMEM((ce,), jnp.float32),
            pltpu.VMEM((ce,), jnp.float32),
            pltpu.VMEM((ce,), jnp.float32),
            pltpu.SemaphoreType.DMA,
            pltpu.SemaphoreType.DMA,
            pltpu.SemaphoreType.DMA,
            pltpu.SemaphoreType.DMA,
        ],
    )
    def sc_add(x_hbm, w_hbm, o_hbm, wbuf, xbuf0, xbuf1, xsem0, xsem1, osem0, osem1):
        wid = lax.axis_index("s") * NUM_CORES + lax.axis_index("c")
        srow = wid * seq_per_worker
        xbufs = (xbuf0, xbuf1)
        xsems = (xsem0, xsem1)
        osems = (osem0, osem1)

        def x_off(c, b):
            return (b * seq_len + srow + c * CHUNK_ROWS) * hidden

        def chunk(c, carry):
            woff = (srow + c * CHUNK_ROWS) * hidden
            for k in (0, 1):
                @pl.when(c > 0)
                def _drain(k=k):
                    pltpu.make_async_copy(
                        xbufs[k], o_hbm.at[pl.ds(x_off(c, k), ce)], osems[k]
                    ).wait()
                pltpu.async_copy(
                    x_hbm.at[pl.ds(x_off(c, k), ce)], xbufs[k], xsems[k]
                )
            pltpu.sync_copy(w_hbm.at[pl.ds(woff, ce)], wbuf)

            for b in range(batch):
                k = b & 1
                pltpu.make_async_copy(
                    x_hbm.at[pl.ds(x_off(c, b), ce)], xbufs[k], xsems[k]
                ).wait()

                @plsc.parallel_loop(0, ce // LANES, unroll=UNROLL)
                def _vadd(i, k=k):
                    s = pl.ds(i * LANES, LANES)
                    xbufs[k][s] = xbufs[k][s] + wbuf[s]

                pltpu.async_copy(
                    xbufs[k], o_hbm.at[pl.ds(x_off(c, b), ce)], osems[k]
                )
                if b + 2 < batch:
                    pltpu.make_async_copy(
                        xbufs[k], o_hbm.at[pl.ds(x_off(c, b), ce)], osems[k]
                    ).wait()
                    pltpu.async_copy(
                        x_hbm.at[pl.ds(x_off(c, b + 2), ce)], xbufs[k], xsems[k]
                    )
            return carry

        lax.fori_loop(0, num_chunks, chunk, 0)
        for k in (0, 1):
            pltpu.make_async_copy(
                xbufs[k], o_hbm.at[pl.ds(x_off(num_chunks - 1, 2 + k), ce)], osems[k]
            ).wait()

    out = sc_add(xf, wf)
    return out.reshape(batch, seq_len, hidden)

# --- scband reference (transcript-rebuilt; emitter-appended) ---
"""Pipeline reference for scband-positional-embedding-15247133901136 (READ-ONLY COPY).

The authoritative reference and input builder live on the scoring server;
editing this copy changes nothing except your own understanding.
"""

import jax, jax.numpy as jnp
import numpy as np

MAX_SEQ_LEN = 8192
HIDDEN_DIM = 1024
BATCH = 4
SEQ_LEN = 8192

def setup_inputs(seed: int = 0) -> dict:
    key = jax.random.key(seed)
    k1, k2 = jax.random.split(key)
    x = jax.random.normal(k1, (BATCH, SEQ_LEN, HIDDEN_DIM), dtype=jnp.float32)
    embedding_weight = jax.random.normal(k2, (MAX_SEQ_LEN, HIDDEN_DIM), dtype=jnp.float32) * 0.02
    return {"x": x, "embedding_weight": embedding_weight}

def reference(x, embedding_weight):
    batch, seq_len, _ = x.shape
    positions = jnp.arange(MAX_SEQ_LEN)[None, :][:, :seq_len]  # (1, seq_len)
    positions = jnp.broadcast_to(positions, (batch, seq_len))  # expand to (batch, seq_len)
    pos_emb = jnp.take(embedding_weight, positions, axis=0)    # (batch, seq_len, hidden_dim)
    return x + pos_emb

if __name__ == "__main__":
    import jax
    _d = setup_inputs()
    print(jax.jit(kernel)(*tuple(_d.values())))

</pallas_src>

<mosaic_0001>
#map = affine_map<(d0, d1) -> (0)>
module attributes {stable_mosaic.version = 14 : i64} {
  func.func @sc_add(%arg0: i32, %arg1: i32, %arg2: memref<33554432xf32, #tpu.memory_space<hbm>>, %arg3: memref<8388608xf32, #tpu.memory_space<hbm>>, %arg4: memref<33554432xf32, #tpu.memory_space<hbm>>, %arg5: memref<32768xf32, #tpu.memory_space<vmem>>, %arg6: memref<32768xf32, #tpu.memory_space<vmem>>, %arg7: memref<32768xf32, #tpu.memory_space<vmem>>, %arg8: memref<!tpu.dma_semaphore, #tpu.memory_space<semaphore_mem>>, %arg9: memref<!tpu.dma_semaphore, #tpu.memory_space<semaphore_mem>>, %arg10: memref<!tpu.dma_semaphore, #tpu.memory_space<semaphore_mem>>, %arg11: memref<!tpu.dma_semaphore, #tpu.memory_space<semaphore_mem>>) attributes {dimension_semantics = [#tpu.dimension_semantics<core_parallel>, #tpu.dimension_semantics<subcore_parallel>], iteration_bounds = array<i64: 2, 16>, scalar_prefetch = 0 : i64, scratch_operands = 7 : i64, tpu.core_type = #tpu.core_type<sc_vector_subcore>, window_params = [{transform_indices = #map}, {transform_indices = #map}, {transform_indices = #map}]} {
    %mul3A = arith.constant 2 : i32
    %mul3A_0 = arith.muli %arg1, %mul3A : i32
    %add3A = arith.addi %mul3A_0, %arg0 : i32
    %mul3A_1 = arith.constant 256 : i32
    %mul3A_2 = arith.muli %add3A, %mul3A_1 : i32
    %scan3A = arith.constant 0 : i32
    %scan3A_3 = arith.constant 0 : i32
    %scan3A_4 = arith.constant 8 : i32
    %scan3A_5 = arith.addi %scan3A_3, %scan3A_4 : i32
    %scan3A_6 = arith.constant 1 : i32
    scf.for %scan3A_23 = %scan3A_3 to %scan3A_5 step %scan3A_6  : i32 {
      %mul3A_24 = arith.constant 32 : i32
      %mul3A_25 = arith.muli %scan3A_23, %mul3A_24 : i32
      %add3A_26 = arith.addi %mul3A_2, %mul3A_25 : i32
      %mul3A_27 = arith.constant 1024 : i32
      %mul3A_28 = arith.muli %add3A_26, %mul3A_27 : i32
      %gt3A = arith.constant 0 : i32
      %gt3A_29 = arith.cmpi sgt, %scan3A_23, %gt3A : i32
      %convert_element_type3A = arith.extui %gt3A_29 : i1 to i32
      %cond3A = arith.constant 0 : i32
      %cond3A_30 = arith.cmpi ne, %convert_element_type3A, %cond3A : i32
      scf.if %cond3A_30 {
        %add3A_172 = arith.constant 0 : i32
        %add3A_173 = arith.addi %add3A_172, %mul3A_2 : i32
        %mul3A_174 = arith.constant 32 : i32
        %mul3A_175 = arith.muli %scan3A_23, %mul3A_174 : i32
        %add3A_176 = arith.addi %add3A_173, %mul3A_175 : i32
        %mul3A_177 = arith.constant 1024 : i32
        %mul3A_178 = arith.muli %add3A_176, %mul3A_177 : i32
        %dma_wait3A_179 = tpu.memref_slice %arg4[%mul3A_178] : memref<33554432xf32, #tpu.memory_space<hbm>> -> memref<32768xf32, #tpu.memory_space<hbm>>
        %dma_wait3A_180 = tpu.memref_slice %arg4[%mul3A_178] : memref<33554432xf32, #tpu.memory_space<hbm>> -> memref<32768xf32, #tpu.memory_space<hbm>>
        tpu.wait_dma2 semaphore(%arg10 : memref<!tpu.dma_semaphore, #tpu.memory_space<semaphore_mem>>) src(%arg6 : memref<32768xf32, #tpu.memory_space<vmem>>) dst(%dma_wait3A_180 : memref<32768xf32, #tpu.memory_space<hbm>>)
      } else {
      }
      %add3A_31 = arith.constant 0 : i32
      %add3A_32 = arith.addi %add3A_31, %mul3A_2 : i32
      %mul3A_33 = arith.constant 32 : i32
      %mul3A_34 = arith.muli %scan3A_23, %mul3A_33 : i32
      %add3A_35 = arith.addi %add3A_32, %mul3A_34 : i32
      %mul3A_36 = arith.constant 1024 : i32
      %mul3A_37 = arith.muli %add3A_35, %mul3A_36 : i32
      %dma_start3A = tpu.memref_slice %arg2[%mul3A_37] : memref<33554432xf32, #tpu.memory_space<hbm>> -> memref<32768xf32, #tpu.memory_space<hbm>>
      %dma_start3A_38 = tpu.memref_slice %arg2[%mul3A_37] : memref<33554432xf32, #tpu.memory_space<hbm>> -> memref<32768xf32, #tpu.memory_space<hbm>>
      tpu.enqueue_dma source(%dma_start3A_38 : memref<32768xf32, #tpu.memory_space<hbm>>) target(%arg6 : memref<32768xf32, #tpu.memory_space<vmem>>) target_semaphore(%arg8 : memref<!tpu.dma_semaphore, #tpu.memory_space<semaphore_mem>>)
      %gt3A_39 = arith.constant 0 : i32
      %gt3A_40 = arith.cmpi sgt, %scan3A_23, %gt3A_39 : i32
      %convert_element_type3A_41 = arith.extui %gt3A_40 : i1 to i32
      %cond3A_42 = arith.constant 0 : i32
      %cond3A_43 = arith.cmpi ne, %convert_element_type3A_41, %cond3A_42 : i32
      scf.if %cond3A_43 {
        %add3A_172 = arith.constant 8192 : i32
        %add3A_173 = arith.addi %add3A_172, %mul3A_2 : i32
        %mul3A_174 = arith.constant 32 : i32
        %mul3A_175 = arith.muli %scan3A_23, %mul3A_174 : i32
        %add3A_176 = arith.addi %add3A_173, %mul3A_175 : i32
        %mul3A_177 = arith.constant 1024 : i32
        %mul3A_178 = arith.muli %add3A_176, %mul3A_177 : i32
        %dma_wait3A_179 = tpu.memref_slice %arg4[%mul3A_178] : memref<33554432xf32, #tpu.memory_space<hbm>> -> memref<32768xf32, #tpu.memory_space<hbm>>
        %dma_wait3A_180 = tpu.memref_slice %arg4[%mul3A_178] : memref<33554432xf32, #tpu.memory_space<hbm>> -> memref<32768xf32, #tpu.memory_space<hbm>>
        tpu.wait_dma2 semaphore(%arg11 : memref<!tpu.dma_semaphore, #tpu.memory_space<semaphore_mem>>) src(%arg7 : memref<32768xf32, #tpu.memory_space<vmem>>) dst(%dma_wait3A_180 : memref<32768xf32, #tpu.memory_space<hbm>>)
      } else {
      }
      %add3A_44 = arith.constant 8192 : i32
      %add3A_45 = arith.addi %add3A_44, %mul3A_2 : i32
      %mul3A_46 = arith.constant 32 : i32
      %mul3A_47 = arith.muli %scan3A_23, %mul3A_46 : i32
      %add3A_48 = arith.addi %add3A_45, %mul3A_47 : i32
      %mul3A_49 = arith.constant 1024 : i32
      %mul3A_50 = arith.muli %add3A_48, %mul3A_49 : i32
      %dma_start3A_51 = tpu.memref_slice %arg2[%mul3A_50] : memref<33554432xf32, #tpu.memory_space<hbm>> -> memref<32768xf32, #tpu.memory_space<hbm>>
      %dma_start3A_52 = tpu.memref_slice %arg2[%mul3A_50] : memref<33554432xf32, #tpu.memory_space<hbm>> -> memref<32768xf32, #tpu.memory_space<hbm>>
      tpu.enqueue_dma source(%dma_start3A_52 : memref<32768xf32, #tpu.memory_space<hbm>>) target(%arg7 : memref<32768xf32, #tpu.memory_space<vmem>>) target_semaphore(%arg9 : memref<!tpu.dma_semaphore, #tpu.memory_space<semaphore_mem>>)
      "tpu.region"() ({
        %run_scoped3A = tpu.sem_alloc : memref<!tpu.dma_semaphore, #tpu.memory_space<semaphore_mem>>
        %dma_start3A_172 = tpu.memref_slice %arg3[%mul3A_28] : memref<8388608xf32, #tpu.memory_space<hbm>> -> memref<32768xf32, #tpu.memory_space<hbm>>
        %dma_start3A_173 = tpu.memref_slice %arg3[%mul3A_28] : memref<8388608xf32, #tpu.memory_space<hbm>> -> memref<32768xf32, #tpu.memory_space<hbm>>
        tpu.enqueue_dma source(%dma_start3A_173 : memref<32768xf32, #tpu.memory_space<hbm>>) target(%arg5 : memref<32768xf32, #tpu.memory_space<vmem>>) target_semaphore(%run_scoped3A : memref<!tpu.dma_semaphore, #tpu.memory_space<semaphore_mem>>)
        %dma_wait3A_174 = tpu.memref_slice %arg3[%mul3A_28] : memref<8388608xf32, #tpu.memory_space<hbm>> -> memref<32768xf32, #tpu.memory_space<hbm>>
        %dma_wait3A_175 = tpu.memref_slice %arg3[%mul3A_28] : memref<8388608xf32, #tpu.memory_space<hbm>> -> memref<32768xf32, #tpu.memory_space<hbm>>
        tpu.wait_dma2 semaphore(%run_scoped3A : memref<!tpu.dma_semaphore, #tpu.memory_space<semaphore_mem>>) src(%dma_wait3A_175 : memref<32768xf32, #tpu.memory_space<hbm>>) dst(%arg5 : memref<32768xf32, #tpu.memory_space<vmem>>)
        tpu.yield
      }) : () -> ()
      %add3A_53 = arith.constant 0 : i32
      %add3A_54 = arith.addi %add3A_53, %mul3A_2 : i32
      %mul3A_55 = arith.constant 32 : i32
      %mul3A_56 = arith.muli %scan3A_23, %mul3A_55 : i32
      %add3A_57 = arith.addi %add3A_54, %mul3A_56 : i32
      %mul3A_58 = arith.constant 1024 : i32
      %mul3A_59 = arith.muli %add3A_57, %mul3A_58 : i32
      %dma_wait3A_60 = tpu.memref_slice %arg2[%mul3A_59] : memref<33554432xf32, #tpu.memory_space<hbm>> -> memref<32768xf32, #tpu.memory_space<hbm>>
      %dma_wait3A_61 = tpu.memref_slice %arg2[%mul3A_59] : memref<33554432xf32, #tpu.memory_space<hbm>> -> memref<32768xf32, #tpu.memory_space<hbm>>
      tpu.wait_dma2 semaphore(%arg8 : memref<!tpu.dma_semaphore, #tpu.memory_space<semaphore_mem>>) src(%dma_wait3A_61 : memref<32768xf32, #tpu.memory_space<hbm>>) dst(%arg6 : memref<32768xf32, #tpu.memory_space<vmem>>)
      %parallel_loop3A = arith.constant 0 : i32
      %parallel_loop3A_62 = arith.constant 2048 : i32
      %parallel_loop3A_63 = arith.constant 1 : i32
      scf.for %parallel_loop3A_172 = %parallel_loop3A to %parallel_loop3A_62 step %parallel_loop3A_63  : i32 {
        %parallel_loop3A_173 = arith.constant 16 : i32
        %parallel_loop3A_174 = arith.muli %parallel_loop3A_172, %parallel_loop3A_173 : i32
        %parallel_loop3A_175 = arith.index_cast %parallel_loop3A_174 : i32 to index
        %parallel_loop3A_176 = tpu.vector_load %arg6[%parallel_loop3A_175] {strides = array<i32>} : memref<32768xf32, #tpu.memory_space<vmem>>, vector<16xf32>,
        %parallel_loop3A_177 = vector.shape_cast %parallel_loop3A_176 : vector<16xf32> to vector<16xf32>
        %parallel_loop3A_178 = arith.index_cast %parallel_loop3A_174 : i32 to index
        %parallel_loop3A_179 = tpu.vector_load %arg5[%parallel_loop3A_178] {strides = array<i32>} : memref<32768xf32, #tpu.memory_space<vmem>>, vector<16xf32>,
        %parallel_loop3A_180 = vector.shape_cast %parallel_loop3A_179 : vector<16xf32> to vector<16xf32>
        %parallel_loop3A_181 = arith.addf %parallel_loop3A_177, %parallel_loop3A_180 : vector<16xf32>
        %parallel_loop3A_182 = arith.index_cast %parallel_loop3A_174 : i32 to index
        %parallel_loop3A_183 = tpu.vector_load %arg6[%parallel_loop3A_182] {strides = array<i32>} : memref<32768xf32, #tpu.memory_space<vmem>>, vector<16xf32>,
        %parallel_loop3A_184 = vector.shape_cast %parallel_loop3A_183 : vector<16xf32> to vector<16xf32>
        %parallel_loop3A_185 = vector.shape_cast %parallel_loop3A_181 : vector<16xf32> to vector<16xf32>
        tpu.vector_store %arg6[%parallel_loop3A_182], %parallel_loop3A_185 {strides = array<i32>} : memref<32768xf32, #tpu.memory_space<vmem>>, vector<16xf32>,
      } {sc.loop_unroll_factor = 16 : i64, sc.parallel_access}
      %add3A_64 = arith.constant 0 : i32
      %add3A_65 = arith.addi %add3A_64, %mul3A_2 : i32
      %mul3A_66 = arith.constant 32 : i32
      %mul3A_67 = arith.muli %scan3A_23, %mul3A_66 : i32
      %add3A_68 = arith.addi %add3A_65, %mul3A_67 : i32
      %mul3A_69 = arith.constant 1024 : i32
      %mul3A_70 = arith.muli %add3A_68, %mul3A_69 : i32
      %dma_start3A_71 = tpu.memref_slice %arg4[%mul3A_70] : memref<33554432xf32, #tpu.memory_space<hbm>> -> memref<32768xf32, #tpu.memory_space<hbm>>
      %dma_start3A_72 = tpu.memref_slice %arg4[%mul3A_70] : memref<33554432xf32, #tpu.memory_space<hbm>> -> memref<32768xf32, #tpu.memory_space<hbm>>
      tpu.enqueue_dma source(%arg6 : memref<32768xf32, #tpu.memory_space<vmem>>) target(%dma_start3A_72 : memref<32768xf32, #tpu.memory_space<hbm>>) target_semaphore(%arg10 : memref<!tpu.dma_semaphore, #tpu.memory_space<semaphore_mem>>)
      %add3A_73 = arith.constant 0 : i32
      %add3A_74 = arith.addi %add3A_73, %mul3A_2 : i32
      %mul3A_75 = arith.constant 32 : i32
      %mul3A_76 = arith.muli %scan3A_23, %mul3A_75 : i32
      %add3A_77 = arith.addi %add3A_74, %mul3A_76 : i32
      %mul3A_78 = arith.constant 1024 : i32
      %mul3A_79 = arith.muli %add3A_77, %mul3A_78 : i32
      %dma_wait3A_80 = tpu.memref_slice %arg4[%mul3A_79] : memref<33554432xf32, #tpu.memory_space<hbm>> -> memref<32768xf32, #tpu.memory_space<hbm>>
      %dma_wait3A_81 = tpu.memref_slice %arg4[%mul3A_79] : memref<33554432xf32, #tpu.memory_space<hbm>> -> memref<32768xf32, #tpu.memory_space<hbm>>
      tpu.wait_dma2 semaphore(%arg10 : memref<!tpu.dma_semaphore, #tpu.memory_space<semaphore_mem>>) src(%arg6 : memref<32768xf32, #tpu.memory_space<vmem>>) dst(%dma_wait3A_81 : memref<32768xf32, #tpu.memory_space<hbm>>)
      %add3A_82 = arith.constant 16384 : i32
      %add3A_83 = arith.addi %add3A_82, %mul3A_2 : i32
      %mul3A_84 = arith.constant 32 : i32
      %mul3A_85 = arith.muli %scan3A_23, %mul3A_84 : i32
      %add3A_86 = arith.addi %add3A_83, %mul3A_85 : i32
      %mul3A_87 = arith.constant 1024 : i32
      %mul3A_88 = arith.muli %add3A_86, %mul3A_87 : i32
      %dma_start3A_89 = tpu.memref_slice %arg2[%mul3A_88] : memref<33554432xf32, #tpu.memory_space<hbm>> -> memref<32768xf32, #tpu.memory_space<hbm>>
      %dma_start3A_90 = tpu.memref_slice %arg2[%mul3A_88] : memref<33554432xf32, #tpu.memory_space<hbm>> -> memref<32768xf32, #tpu.memory_space<hbm>>
      tpu.enqueue_dma source(%dma_start3A_90 : memref<32768xf32, #tpu.memory_space<hbm>>) target(%arg6 : memref<32768xf32, #tpu.memory_space<vmem>>) target_semaphore(%arg8 : memref<!tpu.dma_semaphore, #tpu.memory_space<semaphore_mem>>)
      %add3A_91 = arith.constant 8192 : i32
      %add3A_92 = arith.addi %add3A_91, %mul3A_2 : i32
      %mul3A_93 = arith.constant 32 : i32
      %mul3A_94 = arith.muli %scan3A_23, %mul3A_93 : i32
      %add3A_95 = arith.addi %add3A_92, %mul3A_94 : i32
      %mul3A_96 = arith.constant 1024 : i32
      %mul3A_97 = arith.muli %add3A_95, %mul3A_96 : i32
      %dma_wait3A_98 = tpu.memref_slice %arg2[%mul3A_97] : memref<33554432xf32, #tpu.memory_space<hbm>> -> memref<32768xf32, #tpu.memory_space<hbm>>
      %dma_wait3A_99 = tpu.memref_slice %arg2[%mul3A_97] : memref<33554432xf32, #tpu.memory_space<hbm>> -> memref<32768xf32, #tpu.memory_space<hbm>>
      tpu.wait_dma2 semaphore(%arg9 : memref<!tpu.dma_semaphore, #tpu.memory_space<semaphore_mem>>) src(%dma_wait3A_99 : memref<32768xf32, #tpu.memory_space<hbm>>) dst(%arg7 : memref<32768xf32, #tpu.memory_space<vmem>>)
      %parallel_loop3A_100 = arith.constant 0 : i32
      %parallel_loop3A_101 = arith.constant 2048 : i32
      %parallel_loop3A_102 = arith.constant 1 : i32
      scf.for %parallel_loop3A_172 = %parallel_loop3A_100 to %parallel_loop3A_101 step %parallel_loop3A_102  : i32 {
        %parallel_loop3A_173 = arith.constant 16 : i32
        %parallel_loop3A_174 = arith.muli %parallel_loop3A_172, %parallel_loop3A_173 : i32
        %parallel_loop3A_175 = arith.index_cast %parallel_loop3A_174 : i32 to index
        %parallel_loop3A_176 = tpu.vector_load %arg7[%parallel_loop3A_175] {strides = array<i32>} : memref<32768xf32, #tpu.memory_space<vmem>>, vector<16xf32>,
        %parallel_loop3A_177 = vector.shape_cast %parallel_loop3A_176 : vector<16xf32> to vector<16xf32>
        %parallel_loop3A_178 = arith.index_cast %parallel_loop3A_174 : i32 to index
        %parallel_loop3A_179 = tpu.vector_load %arg5[%parallel_loop3A_178] {strides = array<i32>} : memref<32768xf32, #tpu.memory_space<vmem>>, vector<16xf32>,
        %parallel_loop3A_180 = vector.shape_cast %parallel_loop3A_179 : vector<16xf32> to vector<16xf32>
        %parallel_loop3A_181 = arith.addf %parallel_loop3A_177, %parallel_loop3A_180 : vector<16xf32>
        %parallel_loop3A_182 = arith.index_cast %parallel_loop3A_174 : i32 to index
        %parallel_loop3A_183 = tpu.vector_load %arg7[%parallel_loop3A_182] {strides = array<i32>} : memref<32768xf32, #tpu.memory_space<vmem>>, vector<16xf32>,
        %parallel_loop3A_184 = vector.shape_cast %parallel_loop3A_183 : vector<16xf32> to vector<16xf32>
        %parallel_loop3A_185 = vector.shape_cast %parallel_loop3A_181 : vector<16xf32> to vector<16xf32>
        tpu.vector_store %arg7[%parallel_loop3A_182], %parallel_loop3A_185 {strides = array<i32>} : memref<32768xf32, #tpu.memory_space<vmem>>, vector<16xf32>,
      } {sc.loop_unroll_factor = 16 : i64, sc.parallel_access}
      %add3A_103 = arith.constant 8192 : i32
      %add3A_104 = arith.addi %add3A_103, %mul3A_2 : i32
      %mul3A_105 = arith.constant 32 : i32
      %mul3A_106 = arith.muli %scan3A_23, %mul3A_105 : i32
      %add3A_107 = arith.addi %add3A_104, %mul3A_106 : i32
      %mul3A_108 = arith.constant 1024 : i32
      %mul3A_109 = arith.muli %add3A_107, %mul3A_108 : i32
      %dma_start3A_110 = tpu.memref_slice %arg4[%mul3A_109] : memref<33554432xf32, #tpu.memory_space<hbm>> -> memref<32768xf32, #tpu.memory_space<hbm>>
      %dma_start3A_111 = tpu.memref_slice %arg4[%mul3A_109] : memref<33554432xf32, #tpu.memory_space<hbm>> -> memref<32768xf32, #tpu.memory_space<hbm>>
      tpu.enqueue_dma source(%arg7 : memref<32768xf32, #tpu.memory_space<vmem>>) target(%dma_start3A_111 : memref<32768xf32, #tpu.memory_space<hbm>>) target_semaphore(%arg11 : memref<!tpu.dma_semaphore, #tpu.memory_space<semaphore_mem>>)
      %add3A_112 = arith.constant 8192 : i32
      %add3A_113 = arith.addi %add3A_112, %mul3A_2 : i32
      %mul3A_114 = arith.constant 32 : i32
      %mul3A_115 = arith.muli %scan3A_23, %mul3A_114 : i32
      %add3A_116 = arith.addi %add3A_113, %mul3A_115 : i32
      %mul3A_117 = arith.constant 1024 : i32
      %mul3A_118 = arith.muli %add3A_116, %mul3A_117 : i32
      %dma_wait3A_119 = tpu.memref_slice %arg4[%mul3A_118] : memref<33554432xf32, #tpu.memory_space<hbm>> -> memref<32768xf32, #tpu.memory_space<hbm>>
      %dma_wait3A_120 = tpu.memref_slice %arg4[%mul3A_118] : memref<33554432xf32, #tpu.memory_space<hbm>> -> memref<32768xf32, #tpu.memory_space<hbm>>
      tpu.wait_dma2 semaphore(%arg11 : memref<!tpu.dma_semaphore, #tpu.memory_space<semaphore_mem>>) src(%arg7 : memref<32768xf32, #tpu.memory_space<vmem>>) dst(%dma_wait3A_120 : memref<32768xf32, #tpu.memory_space<hbm>>)
      %add3A_121 = arith.constant 24576 : i32
      %add3A_122 = arith.addi %add3A_121, %mul3A_2 : i32
      %mul3A_123 = arith.constant 32 : i32
      %mul3A_124 = arith.muli %scan3A_23, %mul3A_123 : i32
      %add3A_125 = arith.addi %add3A_122, %mul3A_124 : i32
      %mul3A_126 = arith.constant 1024 : i32
      %mul3A_127 = arith.muli %add3A_125, %mul3A_126 : i32
      %dma_start3A_128 = tpu.memref_slice %arg2[%mul3A_127] : memref<33554432xf32, #tpu.memory_space<hbm>> -> memref<32768xf32, #tpu.memory_space<hbm>>
      %dma_start3A_129 = tpu.memref_slice %arg2[%mul3A_127] : memref<33554432xf32, #tpu.memory_space<hbm>> -> memref<32768xf32, #tpu.memory_space<hbm>>
      tpu.enqueue_dma source(%dma_start3A_129 : memref<32768xf32, #tpu.memory_space<hbm>>) target(%arg7 : memref<32768xf32, #tpu.memory_space<vmem>>) target_semaphore(%arg9 : memref<!tpu.dma_semaphore, #tpu.memory_space<semaphore_mem>>)
      %add3A_130 = arith.constant 16384 : i32
      %add3A_131 = arith.addi %add3A_130, %mul3A_2 : i32
      %mul3A_132 = arith.constant 32 : i32
      %mul3A_133 = arith.muli %scan3A_23, %mul3A_132 : i32
      %add3A_134 = arith.addi %add3A_131, %mul3A_133 : i32
      %mul3A_135 = arith.constant 1024 : i32
      %mul3A_136 = arith.muli %add3A_134, %mul3A_135 : i32
      %dma_wait3A_137 = tpu.memref_slice %arg2[%mul3A_136] : memref<33554432xf32, #tpu.memory_space<hbm>> -> memref<32768xf32, #tpu.memory_space<hbm>>
      %dma_wait3A_138 = tpu.memref_slice %arg2[%mul3A_136] : memref<33554432xf32, #tpu.memory_space<hbm>> -> memref<32768xf32, #tpu.memory_space<hbm>>
      tpu.wait_dma2 semaphore(%arg8 : memref<!tpu.dma_semaphore, #tpu.memory_space<semaphore_mem>>) src(%dma_wait3A_138 : memref<32768xf32, #tpu.memory_space<hbm>>) dst(%arg6 : memref<32768xf32, #tpu.memory_space<vmem>>)
      %parallel_loop3A_139 = arith.constant 0 : i32
      %parallel_loop3A_140 = arith.constant 2048 : i32
      %parallel_loop3A_141 = arith.constant 1 : i32
      scf.for %parallel_loop3A_172 = %parallel_loop3A_139 to %parallel_loop3A_140 step %parallel_loop3A_141  : i32 {
        %parallel_loop3A_173 = arith.constant 16 : i32
        %parallel_loop3A_174 = arith.muli %parallel_loop3A_172, %parallel_loop3A_173 : i32
        %parallel_loop3A_175 = arith.index_cast %parallel_loop3A_174 : i32 to index
        %parallel_loop3A_176 = tpu.vector_load %arg6[%parallel_loop3A_175] {strides = array<i32>} : memref<32768xf32, #tpu.memory_space<vmem>>, vector<16xf32>,
        %parallel_loop3A_177 = vector.shape_cast %parallel_loop3A_176 : vector<16xf32> to vector<16xf32>
        %parallel_loop3A_178 = arith.index_cast %parallel_loop3A_174 : i32 to index
        %parallel_loop3A_179 = tpu.vector_load %arg5[%parallel_loop3A_178] {strides = array<i32>} : memref<32768xf32, #tpu.memory_space<vmem>>, vector<16xf32>,
        %parallel_loop3A_180 = vector.shape_cast %parallel_loop3A_179 : vector<16xf32> to vector<16xf32>
        %parallel_loop3A_181 = arith.addf %parallel_loop3A_177, %parallel_loop3A_180 : vector<16xf32>
        %parallel_loop3A_182 = arith.index_cast %parallel_loop3A_174 : i32 to index
        %parallel_loop3A_183 = tpu.vector_load %arg6[%parallel_loop3A_182] {strides = array<i32>} : memref<32768xf32, #tpu.memory_space<vmem>>, vector<16xf32>,
        %parallel_loop3A_184 = vector.shape_cast %parallel_loop3A_183 : vector<16xf32> to vector<16xf32>
        %parallel_loop3A_185 = vector.shape_cast %parallel_loop3A_181 : vector<16xf32> to vector<16xf32>
        tpu.vector_store %arg6[%parallel_loop3A_182], %parallel_loop3A_185 {strides = array<i32>} : memref<32768xf32, #tpu.memory_space<vmem>>, vector<16xf32>,
      } {sc.loop_unroll_factor = 16 : i64, sc.parallel_access}
      %add3A_142 = arith.constant 16384 : i32
      %add3A_143 = arith.addi %add3A_142, %mul3A_2 : i32
      %mul3A_144 = arith.constant 32 : i32
      %mul3A_145 = arith.muli %scan3A_23, %mul3A_144 : i32
      %add3A_146 = arith.addi %add3A_143, %mul3A_145 : i32
      %mul3A_147 = arith.constant 1024 : i32
      %mul3A_148 = arith.muli %add3A_146, %mul3A_147 : i32
      %dma_start3A_149 = tpu.memref_slice %arg4[%mul3A_148] : memref<33554432xf32, #tpu.memory_space<hbm>> -> memref<32768xf32, #tpu.memory_space<hbm>>
      %dma_start3A_150 = tpu.memref_slice %arg4[%mul3A_148] : memref<33554432xf32, #tpu.memory_space<hbm>> -> memref<32768xf32, #tpu.memory_space<hbm>>
      tpu.enqueue_dma source(%arg6 : memref<32768xf32, #tpu.memory_space<vmem>>) target(%dma_start3A_150 : memref<32768xf32, #tpu.memory_space<hbm>>) target_semaphore(%arg10 : memref<!tpu.dma_semaphore, #tpu.memory_space<semaphore_mem>>)
      %add3A_151 = arith.constant 24576 : i32
      %add3A_152 = arith.addi %add3A_151, %mul3A_2 : i32
      %mul3A_153 = arith.constant 32 : i32
      %mul3A_154 = arith.muli %scan3A_23, %mul3A_153 : i32
      %add3A_155 = arith.addi %add3A_152, %mul3A_154 : i32
      %mul3A_156 = arith.constant 1024 : i32
      %mul3A_157 = arith.muli %add3A_155, %mul3A_156 : i32
      %dma_wait3A_158 = tpu.memref_slice %arg2[%mul3A_157] : memref<33554432xf32, #tpu.memory_space<hbm>> -> memref<32768xf32, #tpu.memory_space<hbm>>
      %dma_wait3A_159 = tpu.memref_slice %arg2[%mul3A_157] : memref<33554432xf32, #tpu.memory_space<hbm>> -> memref<32768xf32, #tpu.memory_space<hbm>>
      tpu.wait_dma2 semaphore(%arg9 : memref<!tpu.dma_semaphore, #tpu.memory_space<semaphore_mem>>) src(%dma_wait3A_159 : memref<32768xf32, #tpu.memory_space<hbm>>) dst(%arg7 : memref<32768xf32, #tpu.memory_space<vmem>>)
      %parallel_loop3A_160 = arith.constant 0 : i32
      %parallel_loop3A_161 = arith.constant 2048 : i32
      %parallel_loop3A_162 = arith.constant 1 : i32
      scf.for %parallel_loop3A_172 = %parallel_loop3A_160 to %parallel_loop3A_161 step %parallel_loop3A_162  : i32 {
        %parallel_loop3A_173 = arith.constant 16 : i32
        %parallel_loop3A_174 = arith.muli %parallel_loop3A_172, %parallel_loop3A_173 : i32
        %parallel_loop3A_175 = arith.index_cast %parallel_loop3A_174 : i32 to index
        %parallel_loop3A_176 = tpu.vector_load %arg7[%parallel_loop3A_175] {strides = array<i32>} : memref<32768xf32, #tpu.memory_space<vmem>>, vector<16xf32>,
        %parallel_loop3A_177 = vector.shape_cast %parallel_loop3A_176 : vector<16xf32> to vector<16xf32>
        %parallel_loop3A_178 = arith.index_cast %parallel_loop3A_174 : i32 to index
        %parallel_loop3A_179 = tpu.vector_load %arg5[%parallel_loop3A_178] {strides = array<i32>} : memref<32768xf32, #tpu.memory_space<vmem>>, vector<16xf32>,
        %parallel_loop3A_180 = vector.shape_cast %parallel_loop3A_179 : vector<16xf32> to vector<16xf32>
        %parallel_loop3A_181 = arith.addf %parallel_loop3A_177, %parallel_loop3A_180 : vector<16xf32>
        %parallel_loop3A_182 = arith.index_cast %parallel_loop3A_174 : i32 to index
        %parallel_loop3A_183 = tpu.vector_load %arg7[%parallel_loop3A_182] {strides = array<i32>} : memref<32768xf32, #tpu.memory_space<vmem>>, vector<16xf32>,
        %parallel_loop3A_184 = vector.shape_cast %parallel_loop3A_183 : vector<16xf32> to vector<16xf32>
        %parallel_loop3A_185 = vector.shape_cast %parallel_loop3A_181 : vector<16xf32> to vector<16xf32>
        tpu.vector_store %arg7[%parallel_loop3A_182], %parallel_loop3A_185 {strides = array<i32>} : memref<32768xf32, #tpu.memory_space<vmem>>, vector<16xf32>,
      } {sc.loop_unroll_factor = 16 : i64, sc.parallel_access}
      %add3A_163 = arith.constant 24576 : i32
      %add3A_164 = arith.addi %add3A_163, %mul3A_2 : i32
      %mul3A_165 = arith.constant 32 : i32
      %mul3A_166 = arith.muli %scan3A_23, %mul3A_165 : i32
      %add3A_167 = arith.addi %add3A_164, %mul3A_166 : i32
      %mul3A_168 = arith.constant 1024 : i32
      %mul3A_169 = arith.muli %add3A_167, %mul3A_168 : i32
      %dma_start3A_170 = tpu.memref_slice %arg4[%mul3A_169] : memref<33554432xf32, #tpu.memory_space<hbm>> -> memref<32768xf32, #tpu.memory_space<hbm>>
      %dma_start3A_171 = tpu.memref_slice %arg4[%mul3A_169] : memref<33554432xf32, #tpu.memory_space<hbm>> -> memref<32768xf32, #tpu.memory_space<hbm>>
      tpu.enqueue_dma source(%arg7 : memref<32768xf32, #tpu.memory_space<vmem>>) target(%dma_start3A_171 : memref<32768xf32, #tpu.memory_space<hbm>>) target_semaphore(%arg11 : memref<!tpu.dma_semaphore, #tpu.memory_space<semaphore_mem>>)
    }
    %scan3A_7 = arith.constant 8 : i32
    %add3A_8 = arith.constant 16384 : i32
    %add3A_9 = arith.addi %add3A_8, %mul3A_2 : i32
    %add3A_10 = arith.constant 224 : i32
    %add3A_11 = arith.addi %add3A_9, %add3A_10 : i32
    %mul3A_12 = arith.constant 1024 : i32
    %mul3A_13 = arith.muli %add3A_11, %mul3A_12 : i32
    %dma_wait3A = tpu.memref_slice %arg4[%mul3A_13] : memref<33554432xf32, #tpu.memory_space<hbm>> -> memref<32768xf32, #tpu.memory_space<hbm>>
    %dma_wait3A_14 = tpu.memref_slice %arg4[%mul3A_13] : memref<33554432xf32, #tpu.memory_space<hbm>> -> memref<32768xf32, #tpu.memory_space<hbm>>
    tpu.wait_dma2 semaphore(%arg10 : memref<!tpu.dma_semaphore, #tpu.memory_space<semaphore_mem>>) src(%arg6 : memref<32768xf32, #tpu.memory_space<vmem>>) dst(%dma_wait3A_14 : memref<32768xf32, #tpu.memory_space<hbm>>)
    %add3A_15 = arith.constant 24576 : i32
    %add3A_16 = arith.addi %add3A_15, %mul3A_2 : i32
    %add3A_17 = arith.constant 224 : i32
    %add3A_18 = arith.addi %add3A_16, %add3A_17 : i32
    %mul3A_19 = arith.constant 1024 : i32
    %mul3A_20 = arith.muli %add3A_18, %mul3A_19 : i32
    %dma_wait3A_21 = tpu.memref_slice %arg4[%mul3A_20] : memref<33554432xf32, #tpu.memory_space<hbm>> -> memref<32768xf32, #tpu.memory_space<hbm>>
    %dma_wait3A_22 = tpu.memref_slice %arg4[%mul3A_20] : memref<33554432xf32, #tpu.memory_space<hbm>> -> memref<32768xf32, #tpu.memory_space<hbm>>
    tpu.wait_dma2 semaphore(%arg11 : memref<!tpu.dma_semaphore, #tpu.memory_space<semaphore_mem>>) src(%arg7 : memref<32768xf32, #tpu.memory_space<vmem>>) dst(%dma_wait3A_22 : memref<32768xf32, #tpu.memory_space<hbm>>)
    return
  }
}

</mosaic_0001>

<sc_bundles>
// kernel: kernel.3.cloned.1.call-start
scs
__scs_entry_jumppad:
0x0: {  	(pc) =	sbr.rel $0x88, $3  }
0x1: {  	(tag) =	ssettag $0x0;
	lr =	simm.s32 $0x1  }
0x2: {  	[smem:$0x3F9F] =	sst lr;
	_ =	strace $0xD0000000  }
0x3: {  	_ = 	snop  }
0x4: {  	_ = 	snop  }
0x5: {  	_ = 	snop  }
0x6: {  	_ = 	snop  }
0x7: {  	_ = 	snop  }
__scs_overlays_trampoline_lowered:
0x8: {  	[smem:$0x3FAE] =	sst s0  }
0x9: {  	[smem:$0x3FAF] =	sst s1  }
0xa: {  	[smem:$0x3FB0] =	sst s2  }
0xb: {  	[smem:$0x3FB1] =	sst s3  }
0xc: {  	[smem:$0x3FB2] =	sst s4  }
0xd: {  	[smem:$0x3FB3] =	sst s5  }
0xe: {  	[smem:$0x3FB4] =	sst s6  }
0xf: {  	[smem:$0x3FB5] =	sst s7  }
0x10: {  	[smem:$0x3FB6] =	sst s8  }
0x11: {  	[smem:$0x3FB7] =	sst s9;
	s0 =	simm.s32 @!p0 $0x0  }
0x12: {  	s1 =	sld [smem:$0x3F9D];
	s0 =	simm.s32 @p0 $0x1  }
0x13: {  	[smem:$0x3FB8] =	sst s0;
	s0 =	simm.s32 @!p1 $0x0  }
0x14: {  	s2 =	sld [smem:$0x3F9C];
	s0 =	simm.s32 @p1 $0x1  }
0x15: {  	[smem:$0x3FB9] =	sst s0;
	s0 =	simm.s32 @!p2 $0x0  }
0x16: {  	s3 =	sld [smem:$0x3FDB];
	s0 =	simm.s32 @p2 $0x1  }
0x17: {  	s4 =	simm.s32 $0x1BF5;
	[smem:$0x3FBB] =	sst s0  }
0x18: {  	s0 =	sld [smem:$0x3F9E];
	_ =	swait.ge [sflag:s4], $0x0  }
0x19: {  	s7 =	sld [smem:$0x3F9F]  }
0x1a: {  	s8 =	sadd.s32 $0xFFFFE003, lr  }
0x1b: {  	s9 =	sadd.s32 $0xFFFFFEF7, lr;
	s5 =	simm.s32 $0xFFFFFFFF;
	p2 =	slt.u32 s8, $0xFFFFF086  }
0x1c: {  	p1 =	slt.u32 s9, $0xF7A;
	s5 =	simm.s32 @!p2 $0x0  }
0x1d: {  	s5 =	simm.s32 @p1 $0x1;
	p0 =	seq.s32 s7, s2  }
0x1e: {  	s7 =	smul.u32 @!p0 $0xF7A, s2;
	p2 =	seq.s32 @!p0 s5, $0x0  }
0x1f: {  	s9 =	smul.u32 $0xF7A, s1;
	s8 =	simm.s32 @!p0 $0x1BF5;
	p2 =	por !p2, p0  }
0x20: {  	[sflag:s8] =	ssyncset.s32 @!p0 $0xFFFFF086;
	s6 =	sadd.s32 @!p0 s3, s7;
	s7 =	simm.s32 @!p0 $0x108  }
0x21: {  	s3 =	sadd.s32 s3, s9;
	s6 =	sadd.s32 @!p0 $0x88, s6;
	s7 =	simm.s32 @p2 $0x1082  }
0x22: {  	[simem:s7], [sflag:s8] =	dma.local @!p0 [hbm:s6], $0xF7A  }
0x23: {  	s9 =	sor.u32 $0xD0000000, s2;
	s6 =	simm.s32 $0x108;
	_ =	swait.ge @!p0 [sflag:s8], $0x0  }
0x24: {  	s3 =	sadd.s32 $0x88, s3;
	s6 =	simm.s32 @!p1 $0x1082;
	[sflag:s4] =	ssyncset.s32 $0xFFFFF086  }
0x25: {  	[simem:s6], [sflag:s4] =	dma.local [hbm:s3], $0xF7A  }
0x26: {  	[smem:$0x3F9F] =	sst s1;
	(tag) =	ssettag s2;
	_ =	strace s9  }
0x27: {  	s1 =	sld [smem:$0x3FAF]  }
0x28: {  	s2 =	sld [smem:$0x3FB0]  }
0x29: {  	s4 =	sld [smem:$0x3FB2]  }
0x2a: {  	p0 =	seq.s32 s5, $0x0;
	s5 =	sld [smem:$0x3FB3]  }
0x2b: {  	s6 =	sld [smem:$0x3FB4]  }
0x2c: {  	s7 =	sld [smem:$0x3FB5]  }
0x2d: {  	s3 =	simm.s32 $0x108;
	s8 =	sld [smem:$0x3FB6]  }
0x2e: {  	s3 =	simm.s32 @!p0 $0x1082;
	s9 =	sld [smem:$0x3FB7]  }
0x2f: {  	lr =	sadd.s32 s0, s3;
	s0 =	sld [smem:$0x3FAE]  }
0x30: {  	s3 =	sld [smem:$0x3FB1]  }
0x31: {  	[smem:$0x3FBA] =	sst s10  }
0x32: {  	s10 =	sld [smem:$0x3FB8];
	_ =	sdelay $0x3  }
0x33: {  	p0 =	seq.s32 s10, $0x1;
	s10 =	sld [smem:$0x3FBA];
	_ =	sdelay $0x3  }
0x34: {  	[smem:$0x3FBA] =	sst s10  }
0x35: {  	s10 =	sld [smem:$0x3FB9];
	_ =	sdelay $0x3  }
0x36: {  	p1 =	seq.s32 s10, $0x1;
	s10 =	sld [smem:$0x3FBA];
	_ =	sdelay $0x3  }
0x37: {  	[smem:$0x3FBA] =	sst s10  }
0x38: {  	s10 =	sld [smem:$0x3FBB]  }
0x39: {  	_ = 	snop;
	(pc) =	sbr.ind lr, $3  }
0x3a: {  	_ = 	snop  }
0x3b: {  	_ = 	snop  }
0x3c: {  	p2 =	seq.s32 s10, $0x1;
	s10 =	sld [smem:$0x3FBA]  }
0x3d: {  	_ =	shalt  }
0x3e: {  	_ =	shalt  }
0x3f: {  	_ =	shalt  }
0x40: {  	_ =	shalt  }
0x41: {  	_ =	shalt  }
0x42: {  	_ =	shalt  }
0x43: {  	_ =	shalt  }
0x44: {  	_ =	shalt  }
0x45: {  	_ =	shalt  }
0x46: {  	_ =	shalt  }
0x47: {  	_ =	shalt  }
0x48: {  	_ =	shalt  }
0x49: {  	_ =	shalt  }
0x4a: {  	_ =	shalt  }
0x4b: {  	_ =	shalt  }
0x4c: {  	_ =	shalt  }
0x4d: {  	_ =	shalt  }
0x4e: {  	_ =	shalt  }
0x4f: {  	_ =	shalt  }
0x50: {  	_ =	shalt  }
0x51: {  	_ =	shalt  }
0x52: {  	_ =	shalt  }
0x53: {  	_ =	shalt  }
0x54: {  	_ =	shalt  }
0x55: {  	_ =	shalt  }
0x56: {  	_ =	shalt  }
0x57: {  	_ =	shalt  }
0x58: {  	_ =	shalt  }
0x59: {  	_ =	shalt  }
0x5a: {  	_ =	shalt  }
0x5b: {  	_ =	shalt  }
0x5c: {  	_ =	shalt  }
0x5d: {  	_ =	shalt  }
0x5e: {  	_ =	shalt  }
0x5f: {  	_ =	shalt  }
0x60: {  	_ =	shalt  }
0x61: {  	_ =	shalt  }
0x62: {  	_ =	shalt  }
0x63: {  	_ =	shalt  }
0x64: {  	_ =	shalt  }
0x65: {  	_ =	shalt  }
0x66: {  	_ =	shalt  }
0x67: {  	_ =	shalt  }
0x68: {  	_ =	shalt  }
0x69: {  	_ =	shalt  }
0x6a: {  	_ =	shalt  }
0x6b: {  	_ =	shalt  }
0x6c: {  	_ =	shalt  }
0x6d: {  	_ =	shalt  }
0x6e: {  	_ =	shalt  }
0x6f: {  	_ =	shalt  }
0x70: {  	_ =	shalt  }
0x71: {  	_ =	shalt  }
0x72: {  	_ =	shalt  }
0x73: {  	_ =	shalt  }
0x74: {  	_ =	shalt  }
0x75: {  	_ =	shalt  }
0x76: {  	_ =	shalt  }
0x77: {  	_ =	shalt  }
0x78: {  	_ =	shalt  }
0x79: {  	_ =	shalt  }
0x7a: {  	_ =	shalt  }
0x7b: {  	_ =	shalt  }
0x7c: {  	_ =	shalt  }
0x7d: {  	_ =	shalt  }
0x7e: {  	_ =	shalt  }
0x7f: {  	_ =	shalt  }
0x80: {  	_ =	shalt  }
0x81: {  	_ =	shalt  }
0x82: {  	_ =	shalt  }
0x83: {  	_ =	shalt  }
0x84: {  	_ =	shalt  }
0x85: {  	_ =	shalt  }
0x86: {  	_ =	shalt  }
0x87: {  	_ =	shalt  }
.Lfunc_end0:
.L_simem_size_0:
called_computation.2_lowered:
.L_overlay_start_0:
0x88: {  	s2 =	sld [smem:$0x3FD9]  }
0x89: {  	s3 =	sld [smem:$0x3FFE];
	_ =	sdelay $0x1  }
0x8a: {  	s1 =	srdreg.scid  }
0x8b: {  	s0 =	sand.u32 $0x1, s1  }
0x8c: {  	s17 =	sshll.u32 s0, $0xA;
	s2 =	sadd.s32 s3, s2  }
0x8d: {  	s2 =	sadd.s32 s2, s17  }
0x8e: {  	[smem:$0x3FC6] =	sst s2  }
0x8f: {  	_ = 	snop  }
0x90: {  	s2 =	sld [smem:$0x3FD0];
	(tm) =	ssettm $0x1  }
0x91: {  	s18 =	sld [smem:$0x3FFB];
	_ =	sdelay $0x3  }
0x92: {  	_ =	strace s18  }
0x93: {  	s3 =	sld [smem:$0x3FFC];
	_ =	sdelay $0x3  }
0x94: {  	_ =	strace s3  }
0x95: {  	s3 =	sld [smem:$0x3FFD];
	_ =	sdelay $0x3  }
0x96: {  	_ =	strace s3  }
0x97: {  	_ =	strace $0x8FFFFFFF  }
0x98: {  	s19 =	sld [smem:$0x3FDB];
	_ =	sdelay $0x1  }
0x99: {  	s4 =	simm.s32 $_scs_section_size  }
0x9a: {  	s5 =	simm.s32 $_size__tile_overlayer_lowered;
	s6 =	simm.s32 $_tile_overlayer_lowered  }
0x9b: {  	s22 =	simm.s32 $0x1BFF;
	s21 =	sshll.u32 s6, $0x1;
	s3 =	sadd.s32 s4, s19  }
0x9c: {  	s7 =	simm.s32 $0x0;
	s20 =	sshll.u32 s5, $0x1;
	s5 =	sadd.s32 s21, s3  }
0x9d: {  	[timem:s7], [sflag:s22] =	dma.local [hbm:s5], s20  }
0x9e: {  	_ =	swait.ge [sflag:s22], s20  }
0x9f: {  	s4 =	ssub.s32 $0x0, s20;
	[sflag:s22] =	ssyncset.done $0x0  }
0xa0: {  	[sflag:s22] =	ssyncadd.s32 s4;
	_ =	sdelay $0x1  }
0xa1: {  	s23 =	simm.s32 $0x1B8B  }
0xa2: {  	_ =	swait.ge [sflag:s23], $0x1  }
0xa3: {  	[sflag:s23] =	ssyncset.done $0x0  }
0xa4: {  	s25 =	simm.s32 $0x1B8E;
	s24 =	sld [smem:$0x3FFE];
	[sflag:s23] =	ssyncadd.s32 $0xFFFFFFFF  }
0xa5: {  	s26 =	simm.s32 $execute0_lowered;
	[smem:$0x3FD2] =	sst s25  }
0xa6: {  	s5 =	sshll.u32 s26, $0x1;
	_ =	strace $0x8000004C;
	[dreg:$0x1] =	wrdreg $0xFFFFFFFF  }
0xa7: {  	s28 =	simm.s32 $_size_execute0_lowered;
	s3 =	sadd.s32 s3, s5;
	[dreg:$0x0] =	wrdreg $0x0  }
0xa8: {  	s5 =	sshll.u32 s28, $0x1;
	[dreg:$0x2] =	wrdreg s3  }
0xa9: {  	[dreg:$0x3] =	wrdreg s5  }
0xaa: {  	[dreg:$0x4] =	wrdreg $0xC0  }
0xab: {  	_ =	task [dreg:s7], $0x5FFFF  }
0xac: {  	[dreg:$0x1] =	wrdreg $0xFFFFFFFF  }
0xad: {  	[dreg:$0x0] =	wrdreg $0x60  }
0xae: {  	[dreg:$0x2] =	wrdreg s2  }
0xaf: {  	[dreg:$0x3] =	wrdreg s24  }
0xb0: {  	[dreg:$0x4] =	wrdreg $0x9  }
0xb1: {  	_ =	task.clear_ibuf [dreg:s7], $0x5FFFF;
	_ =	strace $0x9000004C  }
0xb2: {  	s29 =	simm.s32 $0x9;
	_ =	strace $0x8000004E  }
0xb3: {  	_ =	swait.ge [sflag:s29], $0x1  }
0xb4: {  	[sflag:s29] =	ssyncadd.s32 $0xFFFFFFFF  }
0xb5: {  	_ =	strace $0x9000004E  }
0xb6: {  	_ =	sfence  }
0xb7: {  	s30 =	sld [smem:$0x0];
	_ =	sdelay $0x2  }
0xb8: {  	s31 =	sshll.u32 s1, $0xD;
	s1 =	sshrl.u32 s1, $0x2  }
0xb9: {  	s3 =	sand.u32 $0x4000, s31;
	s1 =	sadd.s32 s1, s30  }
0xba: {  	s0 =	sor.u32 s3, s0;
	s1 =	sshll.u32 s1, $0x11  }
0xbb: {  	s0 =	sor.u32 s1, s0  }
0xbc: {  	s0 =	sadd.s32 $0x8F2B, s0  }
0xbd: {  	[sflag:s0] =	ssyncadd.remote.s32 $0x1  }
0xbe: {  	_ =	sfence.sel $0xFFFF  }
0xbf: {  	[dreg:$0x0] =	wrdreg $0xFFFFFFFF;
	(pc) =	sbr.abs _section_cstart, $3  }
0xc0: {  	[dreg:$0x1] =	wrdreg $0xFFFFFFFF  }
0xc1: {  	_ =	task.clear_ibuf [dreg:s7], $0x2FFFF;
	_ =	strace $0x9FFFFFFF  }
0xc2: {  	(tm) =	ssettm $0x7FFFFFFF  }
0xc3: {  	_ =	shalt  }
tec
execute0_lowered:
.L_overlay_start_1:
0x0: {  	(tag) =	ssettag $0x1  }
0x1: {  	s1 =	rddreg [dreg:$0x0]  }
0x2: {  	s5 =	rddreg [dreg:$0x1]  }
0x3: {  	s0 =	rddreg [dreg:$0x2];
	s2 =	simm.s32 $0x0;
	s3 =	srdreg.scid  }
0x4: {  	s10 =	simm.s32 $0x1;
	s11 =	simm.s32 $0x8000;
	s12 =	simm.s32 $0x3  }
0x5: {  	s13 =	simm.s32 $0x2;
	s14 =	simm.s32 $0x4;
	s15 =	simm.s32 $0x0  }
0x6: {  	[smem:$0x7FF] =	sst s2;
	s6 =	sand.u32 $0x1, s3;
	s4 =	sadd.s32 $0xC00, s5  }
0x7: {  	s3 =	stileid.u32;
	s5 =	sadd.s32 $0x100C00, s5;
	s7 =	ssub.s32 $0x2, s6  }
0x8: {  	s9 =	sshll.u32 s3, $0x10;
	s6 =	sshll.u32 s6, $0xF;
	s8 =	sshrl.u32 s7, $0x1  }
0x9: {  	_ =	strace $0x8000004D;
	s6 =	sor.u32 s6, s9;
	s7 =	ssub.s32 s7, s8  }
0xa: {  	s9 =	simm.s32 $0x5;
	s8 =	simm.s32 $0x10000;
	s7 =	smax.u32 s7, $0x1  }
.LBB2_1:
0xb: {  	s16 =	simm.s32 $0x0  }
.LBB2_2:
0xc: {  	s17 =	sshll.u32 s16, $0xC  }
0xd: {  	p0 =	seq.s32 s16, $0x0;
	s17 =	sadd.s32 s6, s17  }
0xe: {  	s19 =	simm.s32 @p0 $0x0;
	s20 =	simm.s32 @p0 $0x8000;
	s18 =	sadd.s32 @p0 s1, s17  }
0xf: {  	[tilespmem:s20], [sflag:$0x1] =	stream.linear.gather @p0 [hbm4b:s18+s19], $0x8000, $0x38;
	[tilespmem:$0x18000] =	vst v63  }
0x10: {  	s18 =	simm.s32 @!p0 $0x3  }
0x11: {  	_ =	swait.ge @!p0 [sflag:s18], $0x8000  }
0x12: {  	s19 =	simm.s32 @!p0 $0x0;
	[sflag:s18] =	ssyncset.done @!p0 $0x0  }
0x13: {  	s20 =	simm.s32 @!p0 $0x8000;
	[sflag:s18] =	ssyncadd.s32 @!p0 $0xFFFF8000;
	s18 =	sadd.s32 @!p0 s1, s17  }
0x14: {  	[tilespmem:s20], [sflag:$0x1] =	stream.linear.gather @!p0 [hbm4b:s18+s19], $0x8000, $0x38;
	[tilespmem:$0x18000] =	vst v63  }
0x15: {  	s19 =	simm.s32 @!p0 $0x4  }
0x16: {  	_ =	swait.ge @!p0 [sflag:s19], $0x8000  }
0x17: {  	s18 =	sor.u32 $0x100000, s17;
	[sflag:s19] =	ssyncset.done @!p0 $0x0  }
0x18: {  	s30 =	sadd.s32 s1, s18;
	[sflag:s19] =	ssyncadd.s32 @!p0 $0xFFFF8000  }
0x19: {  	[tilespmem:s8], [sflag:$0x2] =	stream.linear.gather [hbm4b:s30+s2], $0x8000, $0x38;
	[tilespmem:$0x18000] =	vst v63  }
0x1a: {  	s31 =	sadd.s32 s4, s17  }
0x1b: {  	[tilespmem:s2], [sflag:$0x5] =	stream.linear.gather [hbm4b:s31+s2], $0x8000, $0x38;
	[tilespmem:$0x18000] =	vst v63  }
0x1c: {  	_ =	swait.ge [sflag:s9], $0x8000  }
0x1d: {  	[sflag:s9] =	ssyncset.done $0x0  }
0x1e: {  	[sflag:s9] =	ssyncadd.s32 $0xFFFF8000  }
0x1f: {  	_ =	swait.ge [sflag:s10], $0x8000  }
0x20: {  	[sflag:s10] =	ssyncset.done $0x0  }
0x21: {  	s19 =	simm.s32 $0x8080;
	[sflag:s10] =	ssyncadd.s32 $0xFFFF8000  }
0x22: {  	s20 =	simm.s32 $0x80;
	v1 =	vld [tilespmem:s19+$0x70]  }
0x23: {  	v2 =	vld [tilespmem:s20+$0x70]  }
0x24: {  	v0 =	vld [tilespmem:s20+$0xFFFFFF80]  }
0x25: {  	v3 =	vld [tilespmem:s19+$0xFFFFFF90]  }
0x26: {  	v4 =	vld [tilespmem:s20+$0xFFFFFF90]  }
0x27: {  	v5 =	vld [tilespmem:s19+$0xFFFFFFA0]  }
0x28: {  	v6 =	vld [tilespmem:s20+$0xFFFFFFA0]  }
0x29: {  	v7 =	vld [tilespmem:s19+$0xFFFFFFB0]  }
0x2a: {  	v8 =	vld [tilespmem:s20+$0xFFFFFFB0]  }
0x2b: {  	v9 =	vld [tilespmem:s19+$0xFFFFFFC0]  }
0x2c: {  	v10 =	vld [tilespmem:s20+$0xFFFFFFC0]  }
0x2d: {  	v11 =	vld [tilespmem:s19+$0xFFFFFFD0]  }
0x2e: {  	v12 =	vld [tilespmem:s20+$0xFFFFFFD0]  }
0x2f: {  	v13 =	vld [tilespmem:s19+$0xFFFFFFE0]  }
0x30: {  	v14 =	vld [tilespmem:s20+$0xFFFFFFE0]  }
0x31: {  	v15 =	vld [tilespmem:s19+$0xFFFFFFF0]  }
0x32: {  	v16 =	vld [tilespmem:s20+$0xFFFFFFF0]  }
0x33: {  	v17 =	vld [tilespmem:s19+$0x0]  }
0x34: {  	v61 =	vld [tilespmem:s20+$0x30];
	v1 =	vadd.f32 v2, v1  }
0x35: {  	v2 =	vld [tilespmem:s20+$0x0];
	v3 =	vadd.f32 v4, v3  }
0x36: {  	v4 =	vld [tilespmem:s19+$0x10];
	[tilespmem:s19+$0x70] =	vst v1;
	v1 =	vadd.f32 v6, v5  }
0x37: {  	v5 =	vld [tilespmem:s20+$0x10];
	[tilespmem:s19+$0xFFFFFF90] =	vst v3;
	v3 =	vadd.f32 v8, v7  }
0x38: {  	v6 =	vld [tilespmem:s19+$0x20];
	[tilespmem:s19+$0xFFFFFFA0] =	vst v1;
	v1 =	vadd.f32 v10, v9  }
0x39: {  	v7 =	vld [tilespmem:s20+$0x20];
	[tilespmem:s19+$0xFFFFFFB0] =	vst v3;
	v3 =	vadd.f32 v12, v11  }
0x3a: {  	v8 =	vld [tilespmem:s19+$0x30];
	v2 =	vadd.f32 v2, v17;
	[tilespmem:s19+$0xFFFFFFC0] =	vst v1  }
0x3b: {  	v62 =	vld [tilespmem:s19+$0x40];
	v1 =	vadd.f32 v14, v13;
	[tilespmem:s19+$0xFFFFFFD0] =	vst v3  }
0x3c: {  	v63 =	vld [tilespmem:s20+$0x40];
	v3 =	vadd.f32 v16, v15;
	[tilespmem:s19+$0x0] =	vst v2  }
0x3d: {  	v4 =	vadd.f32 v5, v4;
	[tilespmem:s19+$0xFFFFFFE0] =	vst v1;
	v1 =	vld [tilespmem:s19+$0x50]  }
0x3e: {  	v5 =	vadd.f32 v7, v6;
	[tilespmem:s19+$0xFFFFFFF0] =	vst v3;
	v3 =	vld [tilespmem:s20+$0x50]  }
0x3f: {  	v6 =	vadd.f32 v61, v8;
	v2 =	vld [tilespmem:s19+$0x60];
	[tilespmem:s19+$0x10] =	vst v4  }
0x40: {  	[tilespmem:s19+$0x20] =	vst v5;
	v5 =	vld [tilespmem:s20+$0x60]  }
0x41: {  	s21 =	simm.s32 $0x0;
	s22 =	simm.s32 $0x8180;
	v4 =	vld [tilespmem:s19+$0xFFFFFF80];
	[tilespmem:s19+$0x30] =	vst v6;
	v6 =	vadd.f32 v63, v62  }
.LBB2_3:
0x42: {  	v7 =	vld [tilespmem:s22+$0x70];
	s20 =	sadd.s32 $0x100, s20  }
0x43: {  	s21 =	sadd.s32 $0x10, s21;
	v8 =	vld [tilespmem:s20+$0x70];
	[tilespmem:s19+$0x40] =	vst v6;
	v1 =	vadd.f32 v3, v1  }
0x44: {  	p0 =	slt.u32 s21, $0x7F0;
	v3 =	vld [tilespmem:s20+$0xFFFFFF80]  }
0x45: {  	v6 =	vld [tilespmem:s22+$0xFFFFFF90];
	[tilespmem:s19+$0x50] =	vst v1;
	v1 =	vadd.f32 v5, v2  }
0x46: {  	v2 =	vld [tilespmem:s20+$0xFFFFFF90];
	v9 =	vadd.f32 v0, v4  }
0x47: {  	v4 =	vld [tilespmem:s22+$0xFFFFFFA0];
	[tilespmem:s19+$0x60] =	vst v1  }
0x48: {  	v1 =	vld [tilespmem:s20+$0xFFFFFFA0];
	v5 =	vadd.f32 v8, v7;
	[tilespmem:s19+$0xFFFFFF80] =	vst v9;
	s19 =	smov.u32 s22  }
0x49: {  	v7 =	vld [tilespmem:s22+$0xFFFFFFB0];
	v0 =	vmov v3  }
0x4a: {  	v3 =	vld [tilespmem:s20+$0xFFFFFFB0];
	[tilespmem:s22+$0x70] =	vst v5  }
0x4b: {  	v2 =	vadd.f32 v2, v6;
	v5 =	vld [tilespmem:s22+$0xFFFFFFC0]  }
0x4c: {  	v6 =	vld [tilespmem:s20+$0xFFFFFFC0]  }
0x4d: {  	[tilespmem:s22+$0xFFFFFF90] =	vst v2;
	v1 =	vadd.f32 v1, v4;
	v2 =	vld [tilespmem:s22+$0xFFFFFFD0]  }
0x4e: {  	v4 =	vld [tilespmem:s20+$0xFFFFFFD0]  }
0x4f: {  	[tilespmem:s22+$0xFFFFFFA0] =	vst v1;
	v1 =	vadd.f32 v3, v7;
	v3 =	vld [tilespmem:s22+$0xFFFFFFE0]  }
0x50: {  	v7 =	vld [tilespmem:s20+$0xFFFFFFE0]  }
0x51: {  	[tilespmem:s22+$0xFFFFFFB0] =	vst v1;
	v1 =	vadd.f32 v6, v5;
	v5 =	vld [tilespmem:s22+$0xFFFFFFF0]  }
0x52: {  	v6 =	vld [tilespmem:s20+$0xFFFFFFF0]  }
0x53: {  	[tilespmem:s22+$0xFFFFFFC0] =	vst v1;
	v1 =	vadd.f32 v4, v2;
	v2 =	vld [tilespmem:s22+$0x0]  }
0x54: {  	v4 =	vld [tilespmem:s20+$0x0]  }
0x55: {  	[tilespmem:s22+$0xFFFFFFD0] =	vst v1;
	v1 =	vadd.f32 v7, v3;
	v3 =	vld [tilespmem:s22+$0x10]  }
0x56: {  	v7 =	vld [tilespmem:s20+$0x10]  }
0x57: {  	[tilespmem:s22+$0xFFFFFFE0] =	vst v1;
	v1 =	vadd.f32 v6, v5;
	v5 =	vld [tilespmem:s22+$0x20]  }
0x58: {  	v6 =	vld [tilespmem:s20+$0x20]  }
0x59: {  	[tilespmem:s22+$0xFFFFFFF0] =	vst v1;
	v1 =	vadd.f32 v4, v2;
	v2 =	vld [tilespmem:s22+$0x30]  }
0x5a: {  	v4 =	vld [tilespmem:s20+$0x30]  }
0x5b: {  	[tilespmem:s22+$0x0] =	vst v1;
	v1 =	vadd.f32 v7, v3;
	v7 =	vld [tilespmem:s22+$0x40]  }
0x5c: {  	v8 =	vld [tilespmem:s20+$0x40]  }
.Ltmp0:
0x5d: {  	[tilespmem:s22+$0x10] =	vst v1;
	v5 =	vadd.f32 v6, v5;
	v1 =	vld [tilespmem:s22+$0x50];
	(pc) =	sbr.rel @p0 .LBB2_3-.Ltmp0, $4  }
0x5e: {  	v3 =	vld [tilespmem:s20+$0x50]  }
0x5f: {  	[tilespmem:s22+$0x20] =	vst v5;
	v6 =	vadd.f32 v4, v2;
	v2 =	vld [tilespmem:s22+$0x60]  }
0x60: {  	v5 =	vld [tilespmem:s20+$0x60]  }
0x61: {  	s22 =	sadd.s32 $0x100, s22;
	v4 =	vld [tilespmem:s19+$0xFFFFFF80];
	[tilespmem:s19+$0x30] =	vst v6;
	v6 =	vadd.f32 v8, v7  }
0x62: {  	_ =	sdelay $0x1  }
0x63: {  	v1 =	vadd.f32 v3, v1  }
0x64: {  	[tilespmem:s19+$0x40] =	vst v6;
	v2 =	vadd.f32 v5, v2  }
0x65: {  	[tilespmem:s19+$0x50] =	vst v1;
	v0 =	vadd.f32 v0, v4  }
0x66: {  	[tilespmem:s19+$0x60] =	vst v2  }
0x67: {  	s31 =	sadd.s32 s5, s17;
	[tilespmem:s19+$0xFFFFFF80] =	vst v0  }
0x68: {  	[hbm4b:s31+s2] =	stream.linear.scatter [tilespmem:s11], [sflag:$0x3], $0x8000, $0x38;
	[tilespmem:$0x18000] =	vst v63  }
0x69: {  	_ =	swait.ge [sflag:s12], $0x8000  }
0x6a: {  	s19 =	sor.u32 $0x200000, s17;
	[sflag:s12] =	ssyncset.done $0x0  }
0x6b: {  	s20 =	sadd.s32 s1, s19;
	[sflag:s12] =	ssyncadd.s32 $0xFFFF8000  }
0x6c: {  	[tilespmem:s11], [sflag:$0x1] =	stream.linear.gather [hbm4b:s20+s2], $0x8000, $0x38;
	[tilespmem:$0x18000] =	vst v63  }
0x6d: {  	_ =	swait.ge [sflag:s13], $0x8000  }
0x6e: {  	[sflag:s13] =	ssyncset.done $0x0  }
0x6f: {  	s20 =	simm.s32 $0x10080;
	[sflag:s13] =	ssyncadd.s32 $0xFFFF8000  }
0x70: {  	s21 =	simm.s32 $0x80;
	v1 =	vld [tilespmem:s20+$0x70]  }
0x71: {  	v2 =	vld [tilespmem:s21+$0x70]  }
0x72: {  	v0 =	vld [tilespmem:s21+$0xFFFFFF80]  }
0x73: {  	v3 =	vld [tilespmem:s20+$0xFFFFFF90]  }
0x74: {  	v4 =	vld [tilespmem:s21+$0xFFFFFF90]  }
0x75: {  	v5 =	vld [tilespmem:s20+$0xFFFFFFA0]  }
0x76: {  	v6 =	vld [tilespmem:s21+$0xFFFFFFA0]  }
0x77: {  	v7 =	vld [tilespmem:s20+$0xFFFFFFB0]  }
0x78: {  	v8 =	vld [tilespmem:s21+$0xFFFFFFB0]  }
0x79: {  	v9 =	vld [tilespmem:s20+$0xFFFFFFC0]  }
0x7a: {  	v10 =	vld [tilespmem:s21+$0xFFFFFFC0]  }
0x7b: {  	v11 =	vld [tilespmem:s20+$0xFFFFFFD0]  }
0x7c: {  	v12 =	vld [tilespmem:s21+$0xFFFFFFD0]  }
0x7d: {  	v13 =	vld [tilespmem:s20+$0xFFFFFFE0]  }
0x7e: {  	v14 =	vld [tilespmem:s21+$0xFFFFFFE0]  }
0x7f: {  	v15 =	vld [tilespmem:s20+$0xFFFFFFF0]  }
0x80: {  	v16 =	vld [tilespmem:s21+$0xFFFFFFF0]  }
0x81: {  	v17 =	vld [tilespmem:s20+$0x0]  }
0x82: {  	v61 =	vld [tilespmem:s21+$0x30];
	v1 =	vadd.f32 v2, v1  }
0x83: {  	v2 =	vld [tilespmem:s21+$0x0];
	v3 =	vadd.f32 v4, v3  }
0x84: {  	v4 =	vld [tilespmem:s20+$0x10];
	[tilespmem:s20+$0x70] =	vst v1;
	v1 =	vadd.f32 v6, v5  }
0x85: {  	v5 =	vld [tilespmem:s21+$0x10];
	[tilespmem:s20+$0xFFFFFF90] =	vst v3;
	v3 =	vadd.f32 v8, v7  }
0x86: {  	v6 =	vld [tilespmem:s20+$0x20];
	[tilespmem:s20+$0xFFFFFFA0] =	vst v1;
	v1 =	vadd.f32 v10, v9  }
0x87: {  	v7 =	vld [tilespmem:s21+$0x20];
	[tilespmem:s20+$0xFFFFFFB0] =	vst v3;
	v3 =	vadd.f32 v12, v11  }
0x88: {  	v8 =	vld [tilespmem:s20+$0x30];
	v2 =	vadd.f32 v2, v17;
	[tilespmem:s20+$0xFFFFFFC0] =	vst v1  }
0x89: {  	v62 =	vld [tilespmem:s20+$0x40];
	v1 =	vadd.f32 v14, v13;
	[tilespmem:s20+$0xFFFFFFD0] =	vst v3  }
0x8a: {  	v63 =	vld [tilespmem:s21+$0x40];
	v3 =	vadd.f32 v16, v15;
	[tilespmem:s20+$0x0] =	vst v2  }
0x8b: {  	v4 =	vadd.f32 v5, v4;
	[tilespmem:s20+$0xFFFFFFE0] =	vst v1;
	v1 =	vld [tilespmem:s20+$0x50]  }
0x8c: {  	v5 =	vadd.f32 v7, v6;
	[tilespmem:s20+$0xFFFFFFF0] =	vst v3;
	v3 =	vld [tilespmem:s21+$0x50]  }
0x8d: {  	v6 =	vadd.f32 v61, v8;
	v2 =	vld [tilespmem:s20+$0x60];
	[tilespmem:s20+$0x10] =	vst v4  }
0x8e: {  	[tilespmem:s20+$0x20] =	vst v5;
	v5 =	vld [tilespmem:s21+$0x60]  }
0x8f: {  	s22 =	simm.s32 $0x0;
	s23 =	simm.s32 $0x10180;
	v4 =	vld [tilespmem:s20+$0xFFFFFF80];
	[tilespmem:s20+$0x30] =	vst v6;
	v6 =	vadd.f32 v63, v62  }
.LBB2_5:
0x90: {  	v7 =	vld [tilespmem:s23+$0x70];
	s21 =	sadd.s32 $0x100, s21  }
0x91: {  	s22 =	sadd.s32 $0x10, s22;
	v8 =	vld [tilespmem:s21+$0x70];
	[tilespmem:s20+$0x40] =	vst v6;
	v1 =	vadd.f32 v3, v1  }
0x92: {  	p0 =	slt.u32 s22, $0x7F0;
	v3 =	vld [tilespmem:s21+$0xFFFFFF80]  }
0x93: {  	v6 =	vld [tilespmem:s23+$0xFFFFFF90];
	[tilespmem:s20+$0x50] =	vst v1;
	v1 =	vadd.f32 v5, v2  }
0x94: {  	v2 =	vld [tilespmem:s21+$0xFFFFFF90];
	v9 =	vadd.f32 v0, v4  }
0x95: {  	v4 =	vld [tilespmem:s23+$0xFFFFFFA0];
	[tilespmem:s20+$0x60] =	vst v1  }
0x96: {  	v1 =	vld [tilespmem:s21+$0xFFFFFFA0];
	v5 =	vadd.f32 v8, v7;
	[tilespmem:s20+$0xFFFFFF80] =	vst v9;
	s20 =	smov.u32 s23  }
0x97: {  	v7 =	vld [tilespmem:s23+$0xFFFFFFB0];
	v0 =	vmov v3  }
0x98: {  	v3 =	vld [tilespmem:s21+$0xFFFFFFB0];
	[tilespmem:s23+$0x70] =	vst v5  }
0x99: {  	v2 =	vadd.f32 v2, v6;
	v5 =	vld [tilespmem:s23+$0xFFFFFFC0]  }
0x9a: {  	v6 =	vld [tilespmem:s21+$0xFFFFFFC0]  }
0x9b: {  	[tilespmem:s23+$0xFFFFFF90] =	vst v2;
	v1 =	vadd.f32 v1, v4;
	v2 =	vld [tilespmem:s23+$0xFFFFFFD0]  }
0x9c: {  	v4 =	vld [tilespmem:s21+$0xFFFFFFD0]  }
0x9d: {  	[tilespmem:s23+$0xFFFFFFA0] =	vst v1;
	v1 =	vadd.f32 v3, v7;
	v3 =	vld [tilespmem:s23+$0xFFFFFFE0]  }
0x9e: {  	v7 =	vld [tilespmem:s21+$0xFFFFFFE0]  }
0x9f: {  	[tilespmem:s23+$0xFFFFFFB0] =	vst v1;
	v1 =	vadd.f32 v6, v5;
	v5 =	vld [tilespmem:s23+$0xFFFFFFF0]  }
0xa0: {  	v6 =	vld [tilespmem:s21+$0xFFFFFFF0]  }
0xa1: {  	[tilespmem:s23+$0xFFFFFFC0] =	vst v1;
	v1 =	vadd.f32 v4, v2;
	v2 =	vld [tilespmem:s23+$0x0]  }
0xa2: {  	v4 =	vld [tilespmem:s21+$0x0]  }
0xa3: {  	[tilespmem:s23+$0xFFFFFFD0] =	vst v1;
	v1 =	vadd.f32 v7, v3;
	v3 =	vld [tilespmem:s23+$0x10]  }
0xa4: {  	v7 =	vld [tilespmem:s21+$0x10]  }
0xa5: {  	[tilespmem:s23+$0xFFFFFFE0] =	vst v1;
	v1 =	vadd.f32 v6, v5;
	v5 =	vld [tilespmem:s23+$0x20]  }
0xa6: {  	v6 =	vld [tilespmem:s21+$0x20]  }
0xa7: {  	[tilespmem:s23+$0xFFFFFFF0] =	vst v1;
	v1 =	vadd.f32 v4, v2;
	v2 =	vld [tilespmem:s23+$0x30]  }
0xa8: {  	v4 =	vld [tilespmem:s21+$0x30]  }
0xa9: {  	[tilespmem:s23+$0x0] =	vst v1;
	v1 =	vadd.f32 v7, v3;
	v7 =	vld [tilespmem:s23+$0x40]  }
0xaa: {  	v8 =	vld [tilespmem:s21+$0x40]  }
.Ltmp1:
0xab: {  	[tilespmem:s23+$0x10] =	vst v1;
	v5 =	vadd.f32 v6, v5;
	v1 =	vld [tilespmem:s23+$0x50];
	(pc) =	sbr.rel @p0 .LBB2_5-.Ltmp1, $4  }
0xac: {  	v3 =	vld [tilespmem:s21+$0x50]  }
0xad: {  	[tilespmem:s23+$0x20] =	vst v5;
	v6 =	vadd.f32 v4, v2;
	v2 =	vld [tilespmem:s23+$0x60]  }
0xae: {  	v5 =	vld [tilespmem:s21+$0x60]  }
0xaf: {  	s23 =	sadd.s32 $0x100, s23;
	v4 =	vld [tilespmem:s20+$0xFFFFFF80];
	[tilespmem:s20+$0x30] =	vst v6;
	v6 =	vadd.f32 v8, v7  }
0xb0: {  	_ =	sdelay $0x1  }
0xb1: {  	v1 =	vadd.f32 v3, v1  }
0xb2: {  	[tilespmem:s20+$0x40] =	vst v6;
	v2 =	vadd.f32 v5, v2  }
0xb3: {  	[tilespmem:s20+$0x50] =	vst v1;
	v0 =	vadd.f32 v0, v4  }
0xb4: {  	[tilespmem:s20+$0x60] =	vst v2  }
0xb5: {  	s18 =	sadd.s32 s5, s18;
	[tilespmem:s20+$0xFFFFFF80] =	vst v0  }
0xb6: {  	[hbm4b:s18+s2] =	stream.linear.scatter [tilespmem:s8], [sflag:$0x4], $0x8000, $0x38;
	[tilespmem:$0x18000] =	vst v63  }
0xb7: {  	_ =	swait.ge [sflag:s14], $0x8000  }
0xb8: {  	s17 =	sor.u32 $0x300000, s17;
	[sflag:s14] =	ssyncset.done $0x0  }
0xb9: {  	s31 =	sadd.s32 s1, s17;
	[sflag:s14] =	ssyncadd.s32 $0xFFFF8000  }
0xba: {  	[tilespmem:s8], [sflag:$0x2] =	stream.linear.gather [hbm4b:s31+s2], $0x8000, $0x38;
	[tilespmem:$0x18000] =	vst v63  }
0xbb: {  	_ =	swait.ge [sflag:s10], $0x8000  }
0xbc: {  	[sflag:s10] =	ssyncset.done $0x0  }
0xbd: {  	s18 =	simm.s32 $0x8080;
	[sflag:s10] =	ssyncadd.s32 $0xFFFF8000  }
0xbe: {  	s20 =	simm.s32 $0x80;
	v1 =	vld [tilespmem:s18+$0x70]  }
0xbf: {  	v2 =	vld [tilespmem:s20+$0x70]  }
0xc0: {  	v0 =	vld [tilespmem:s20+$0xFFFFFF80]  }
0xc1: {  	v3 =	vld [tilespmem:s18+$0xFFFFFF90]  }
0xc2: {  	v4 =	vld [tilespmem:s20+$0xFFFFFF90]  }
0xc3: {  	v5 =	vld [tilespmem:s18+$0xFFFFFFA0]  }
0xc4: {  	v6 =	vld [tilespmem:s20+$0xFFFFFFA0]  }
0xc5: {  	v7 =	vld [tilespmem:s18+$0xFFFFFFB0]  }
0xc6: {  	v8 =	vld [tilespmem:s20+$0xFFFFFFB0]  }
0xc7: {  	v9 =	vld [tilespmem:s18+$0xFFFFFFC0]  }
0xc8: {  	v10 =	vld [tilespmem:s20+$0xFFFFFFC0]  }
0xc9: {  	v11 =	vld [tilespmem:s18+$0xFFFFFFD0]  }
0xca: {  	v12 =	vld [tilespmem:s20+$0xFFFFFFD0]  }
0xcb: {  	v13 =	vld [tilespmem:s18+$0xFFFFFFE0]  }
0xcc: {  	v14 =	vld [tilespmem:s20+$0xFFFFFFE0]  }
0xcd: {  	v15 =	vld [tilespmem:s18+$0xFFFFFFF0]  }
0xce: {  	v16 =	vld [tilespmem:s20+$0xFFFFFFF0]  }
0xcf: {  	v17 =	vld [tilespmem:s18+$0x0]  }
0xd0: {  	v61 =	vld [tilespmem:s20+$0x30];
	v1 =	vadd.f32 v2, v1  }
0xd1: {  	v2 =	vld [tilespmem:s20+$0x0];
	v3 =	vadd.f32 v4, v3  }
0xd2: {  	v4 =	vld [tilespmem:s18+$0x10];
	[tilespmem:s18+$0x70] =	vst v1;
	v1 =	vadd.f32 v6, v5  }
0xd3: {  	v5 =	vld [tilespmem:s20+$0x10];
	[tilespmem:s18+$0xFFFFFF90] =	vst v3;
	v3 =	vadd.f32 v8, v7  }
0xd4: {  	v6 =	vld [tilespmem:s18+$0x20];
	[tilespmem:s18+$0xFFFFFFA0] =	vst v1;
	v1 =	vadd.f32 v10, v9  }
0xd5: {  	v7 =	vld [tilespmem:s20+$0x20];
	[tilespmem:s18+$0xFFFFFFB0] =	vst v3;
	v3 =	vadd.f32 v12, v11  }
0xd6: {  	v8 =	vld [tilespmem:s18+$0x30];
	v2 =	vadd.f32 v2, v17;
	[tilespmem:s18+$0xFFFFFFC0] =	vst v1  }
0xd7: {  	v62 =	vld [tilespmem:s18+$0x40];
	v1 =	vadd.f32 v14, v13;
	[tilespmem:s18+$0xFFFFFFD0] =	vst v3  }
0xd8: {  	v63 =	vld [tilespmem:s20+$0x40];
	v3 =	vadd.f32 v16, v15;
	[tilespmem:s18+$0x0] =	vst v2  }
0xd9: {  	v4 =	vadd.f32 v5, v4;
	[tilespmem:s18+$0xFFFFFFE0] =	vst v1;
	v1 =	vld [tilespmem:s18+$0x50]  }
0xda: {  	v5 =	vadd.f32 v7, v6;
	[tilespmem:s18+$0xFFFFFFF0] =	vst v3;
	v3 =	vld [tilespmem:s20+$0x50]  }
0xdb: {  	v6 =	vadd.f32 v61, v8;
	v2 =	vld [tilespmem:s18+$0x60];
	[tilespmem:s18+$0x10] =	vst v4  }
0xdc: {  	[tilespmem:s18+$0x20] =	vst v5;
	v5 =	vld [tilespmem:s20+$0x60]  }
0xdd: {  	s21 =	simm.s32 $0x0;
	s22 =	simm.s32 $0x8180;
	v4 =	vld [tilespmem:s18+$0xFFFFFF80];
	[tilespmem:s18+$0x30] =	vst v6;
	v6 =	vadd.f32 v63, v62  }
.LBB2_7:
0xde: {  	v7 =	vld [tilespmem:s22+$0x70];
	s20 =	sadd.s32 $0x100, s20  }
0xdf: {  	s21 =	sadd.s32 $0x10, s21;
	v8 =	vld [tilespmem:s20+$0x70];
	[tilespmem:s18+$0x40] =	vst v6;
	v1 =	vadd.f32 v3, v1  }
0xe0: {  	p0 =	slt.u32 s21, $0x7F0;
	v3 =	vld [tilespmem:s20+$0xFFFFFF80]  }
0xe1: {  	v6 =	vld [tilespmem:s22+$0xFFFFFF90];
	[tilespmem:s18+$0x50] =	vst v1;
	v1 =	vadd.f32 v5, v2  }
0xe2: {  	v2 =	vld [tilespmem:s20+$0xFFFFFF90];
	v9 =	vadd.f32 v0, v4  }
0xe3: {  	v4 =	vld [tilespmem:s22+$0xFFFFFFA0];
	[tilespmem:s18+$0x60] =	vst v1  }
0xe4: {  	v1 =	vld [tilespmem:s20+$0xFFFFFFA0];
	v5 =	vadd.f32 v8, v7;
	[tilespmem:s18+$0xFFFFFF80] =	vst v9;
	s18 =	smov.u32 s22  }
0xe5: {  	v7 =	vld [tilespmem:s22+$0xFFFFFFB0];
	v0 =	vmov v3  }
0xe6: {  	v3 =	vld [tilespmem:s20+$0xFFFFFFB0];
	[tilespmem:s22+$0x70] =	vst v5  }
0xe7: {  	v2 =	vadd.f32 v2, v6;
	v5 =	vld [tilespmem:s22+$0xFFFFFFC0]  }
0xe8: {  	v6 =	vld [tilespmem:s20+$0xFFFFFFC0]  }
0xe9: {  	[tilespmem:s22+$0xFFFFFF90] =	vst v2;
	v1 =	vadd.f32 v1, v4;
	v2 =	vld [tilespmem:s22+$0xFFFFFFD0]  }
0xea: {  	v4 =	vld [tilespmem:s20+$0xFFFFFFD0]  }
0xeb: {  	[tilespmem:s22+$0xFFFFFFA0] =	vst v1;
	v1 =	vadd.f32 v3, v7;
	v3 =	vld [tilespmem:s22+$0xFFFFFFE0]  }
0xec: {  	v7 =	vld [tilespmem:s20+$0xFFFFFFE0]  }
0xed: {  	[tilespmem:s22+$0xFFFFFFB0] =	vst v1;
	v1 =	vadd.f32 v6, v5;
	v5 =	vld [tilespmem:s22+$0xFFFFFFF0]  }
0xee: {  	v6 =	vld [tilespmem:s20+$0xFFFFFFF0]  }
0xef: {  	[tilespmem:s22+$0xFFFFFFC0] =	vst v1;
	v1 =	vadd.f32 v4, v2;
	v2 =	vld [tilespmem:s22+$0x0]  }
0xf0: {  	v4 =	vld [tilespmem:s20+$0x0]  }
0xf1: {  	[tilespmem:s22+$0xFFFFFFD0] =	vst v1;
	v1 =	vadd.f32 v7, v3;
	v3 =	vld [tilespmem:s22+$0x10]  }
0xf2: {  	v7 =	vld [tilespmem:s20+$0x10]  }
0xf3: {  	[tilespmem:s22+$0xFFFFFFE0] =	vst v1;
	v1 =	vadd.f32 v6, v5;
	v5 =	vld [tilespmem:s22+$0x20]  }
0xf4: {  	v6 =	vld [tilespmem:s20+$0x20]  }
0xf5: {  	[tilespmem:s22+$0xFFFFFFF0] =	vst v1;
	v1 =	vadd.f32 v4, v2;
	v2 =	vld [tilespmem:s22+$0x30]  }
0xf6: {  	v4 =	vld [tilespmem:s20+$0x30]  }
0xf7: {  	[tilespmem:s22+$0x0] =	vst v1;
	v1 =	vadd.f32 v7, v3;
	v7 =	vld [tilespmem:s22+$0x40]  }
0xf8: {  	v8 =	vld [tilespmem:s20+$0x40]  }
.Ltmp2:
0xf9: {  	[tilespmem:s22+$0x10] =	vst v1;
	v5 =	vadd.f32 v6, v5;
	v1 =	vld [tilespmem:s22+$0x50];
	(pc) =	sbr.rel @p0 .LBB2_7-.Ltmp2, $4  }
0xfa: {  	v3 =	vld [tilespmem:s20+$0x50]  }
0xfb: {  	[tilespmem:s22+$0x20] =	vst v5;
	v6 =	vadd.f32 v4, v2;
	v2 =	vld [tilespmem:s22+$0x60]  }
0xfc: {  	v5 =	vld [tilespmem:s20+$0x60]  }
0xfd: {  	s22 =	sadd.s32 $0x100, s22;
	v4 =	vld [tilespmem:s18+$0xFFFFFF80];
	[tilespmem:s18+$0x30] =	vst v6;
	v6 =	vadd.f32 v8, v7  }
0xfe: {  	_ =	sdelay $0x1  }
0xff: {  	v1 =	vadd.f32 v3, v1  }
0x100: {  	[tilespmem:s18+$0x40] =	vst v6;
	v2 =	vadd.f32 v5, v2  }
0x101: {  	[tilespmem:s18+$0x50] =	vst v1;
	v0 =	vadd.f32 v0, v4  }
0x102: {  	[tilespmem:s18+$0x60] =	vst v2  }
0x103: {  	s31 =	sadd.s32 s5, s19;
	[tilespmem:s18+$0xFFFFFF80] =	vst v0  }
0x104: {  	[hbm4b:s31+s2] =	stream.linear.scatter [tilespmem:s11], [sflag:$0x3], $0x8000, $0x38;
	[tilespmem:$0x18000] =	vst v63  }
0x105: {  	_ =	swait.ge [sflag:s13], $0x8000  }
0x106: {  	[sflag:s13] =	ssyncset.done $0x0  }
0x107: {  	s18 =	simm.s32 $0x10080;
	[sflag:s13] =	ssyncadd.s32 $0xFFFF8000  }
0x108: {  	s19 =	simm.s32 $0x80;
	v1 =	vld [tilespmem:s18+$0x70]  }
0x109: {  	v2 =	vld [tilespmem:s19+$0x70]  }
0x10a: {  	v0 =	vld [tilespmem:s19+$0xFFFFFF80]  }
0x10b: {  	v3 =	vld [tilespmem:s18+$0xFFFFFF90]  }
0x10c: {  	v4 =	vld [tilespmem:s19+$0xFFFFFF90]  }
0x10d: {  	v5 =	vld [tilespmem:s18+$0xFFFFFFA0]  }
0x10e: {  	v6 =	vld [tilespmem:s19+$0xFFFFFFA0]  }
0x10f: {  	v7 =	vld [tilespmem:s18+$0xFFFFFFB0]  }
0x110: {  	v8 =	vld [tilespmem:s19+$0xFFFFFFB0]  }
0x111: {  	v9 =	vld [tilespmem:s18+$0xFFFFFFC0]  }
0x112: {  	v10 =	vld [tilespmem:s19+$0xFFFFFFC0]  }
0x113: {  	v11 =	vld [tilespmem:s18+$0xFFFFFFD0]  }
0x114: {  	v12 =	vld [tilespmem:s19+$0xFFFFFFD0]  }
0x115: {  	v13 =	vld [tilespmem:s18+$0xFFFFFFE0]  }
0x116: {  	v14 =	vld [tilespmem:s19+$0xFFFFFFE0]  }
0x117: {  	v15 =	vld [tilespmem:s18+$0xFFFFFFF0]  }
0x118: {  	v16 =	vld [tilespmem:s19+$0xFFFFFFF0]  }
0x119: {  	v17 =	vld [tilespmem:s18+$0x0]  }
0x11a: {  	v61 =	vld [tilespmem:s19+$0x30];
	v1 =	vadd.f32 v2, v1  }
0x11b: {  	v2 =	vld [tilespmem:s19+$0x0];
	v3 =	vadd.f32 v4, v3  }
0x11c: {  	v4 =	vld [tilespmem:s18+$0x10];
	[tilespmem:s18+$0x70] =	vst v1;
	v1 =	vadd.f32 v6, v5  }
0x11d: {  	v5 =	vld [tilespmem:s19+$0x10];
	[tilespmem:s18+$0xFFFFFF90] =	vst v3;
	v3 =	vadd.f32 v8, v7  }
0x11e: {  	v6 =	vld [tilespmem:s18+$0x20];
	[tilespmem:s18+$0xFFFFFFA0] =	vst v1;
	v1 =	vadd.f32 v10, v9  }
0x11f: {  	v7 =	vld [tilespmem:s19+$0x20];
	[tilespmem:s18+$0xFFFFFFB0] =	vst v3;
	v3 =	vadd.f32 v12, v11  }
0x120: {  	v8 =	vld [tilespmem:s18+$0x30];
	v2 =	vadd.f32 v2, v17;
	[tilespmem:s18+$0xFFFFFFC0] =	vst v1  }
0x121: {  	v62 =	vld [tilespmem:s18+$0x40];
	v1 =	vadd.f32 v14, v13;
	[tilespmem:s18+$0xFFFFFFD0] =	vst v3  }
0x122: {  	v63 =	vld [tilespmem:s19+$0x40];
	v3 =	vadd.f32 v16, v15;
	[tilespmem:s18+$0x0] =	vst v2  }
0x123: {  	v4 =	vadd.f32 v5, v4;
	[tilespmem:s18+$0xFFFFFFE0] =	vst v1;
	v1 =	vld [tilespmem:s18+$0x50]  }
0x124: {  	v5 =	vadd.f32 v7, v6;
	[tilespmem:s18+$0xFFFFFFF0] =	vst v3;
	v3 =	vld [tilespmem:s19+$0x50]  }
0x125: {  	v6 =	vadd.f32 v61, v8;
	v2 =	vld [tilespmem:s18+$0x60];
	[tilespmem:s18+$0x10] =	vst v4  }
0x126: {  	[tilespmem:s18+$0x20] =	vst v5;
	v5 =	vld [tilespmem:s19+$0x60]  }
0x127: {  	s20 =	simm.s32 $0x0;
	s21 =	simm.s32 $0x10180;
	v4 =	vld [tilespmem:s18+$0xFFFFFF80];
	[tilespmem:s18+$0x30] =	vst v6;
	v6 =	vadd.f32 v63, v62  }
.LBB2_9:
0x128: {  	v7 =	vld [tilespmem:s21+$0x70];
	s19 =	sadd.s32 $0x100, s19  }
0x129: {  	s20 =	sadd.s32 $0x10, s20;
	v8 =	vld [tilespmem:s19+$0x70];
	[tilespmem:s18+$0x40] =	vst v6;
	v1 =	vadd.f32 v3, v1  }
0x12a: {  	p0 =	slt.u32 s20, $0x7F0;
	v3 =	vld [tilespmem:s19+$0xFFFFFF80]  }
0x12b: {  	v6 =	vld [tilespmem:s21+$0xFFFFFF90];
	[tilespmem:s18+$0x50] =	vst v1;
	v1 =	vadd.f32 v5, v2  }
0x12c: {  	v2 =	vld [tilespmem:s19+$0xFFFFFF90];
	v9 =	vadd.f32 v0, v4  }
0x12d: {  	v4 =	vld [tilespmem:s21+$0xFFFFFFA0];
	[tilespmem:s18+$0x60] =	vst v1  }
0x12e: {  	v1 =	vld [tilespmem:s19+$0xFFFFFFA0];
	v5 =	vadd.f32 v8, v7;
	[tilespmem:s18+$0xFFFFFF80] =	vst v9;
	s18 =	smov.u32 s21  }
0x12f: {  	v7 =	vld [tilespmem:s21+$0xFFFFFFB0];
	v0 =	vmov v3  }
0x130: {  	v3 =	vld [tilespmem:s19+$0xFFFFFFB0];
	[tilespmem:s21+$0x70] =	vst v5  }
0x131: {  	v2 =	vadd.f32 v2, v6;
	v5 =	vld [tilespmem:s21+$0xFFFFFFC0]  }
0x132: {  	v6 =	vld [tilespmem:s19+$0xFFFFFFC0]  }
0x133: {  	[tilespmem:s21+$0xFFFFFF90] =	vst v2;
	v1 =	vadd.f32 v1, v4;
	v2 =	vld [tilespmem:s21+$0xFFFFFFD0]  }
0x134: {  	v4 =	vld [tilespmem:s19+$0xFFFFFFD0]  }
0x135: {  	[tilespmem:s21+$0xFFFFFFA0] =	vst v1;
	v1 =	vadd.f32 v3, v7;
	v3 =	vld [tilespmem:s21+$0xFFFFFFE0]  }
0x136: {  	v7 =	vld [tilespmem:s19+$0xFFFFFFE0]  }
0x137: {  	[tilespmem:s21+$0xFFFFFFB0] =	vst v1;
	v1 =	vadd.f32 v6, v5;
	v5 =	vld [tilespmem:s21+$0xFFFFFFF0]  }
0x138: {  	v6 =	vld [tilespmem:s19+$0xFFFFFFF0]  }
0x139: {  	[tilespmem:s21+$0xFFFFFFC0] =	vst v1;
	v1 =	vadd.f32 v4, v2;
	v2 =	vld [tilespmem:s21+$0x0]  }
0x13a: {  	v4 =	vld [tilespmem:s19+$0x0]  }
0x13b: {  	[tilespmem:s21+$0xFFFFFFD0] =	vst v1;
	v1 =	vadd.f32 v7, v3;
	v3 =	vld [tilespmem:s21+$0x10]  }
0x13c: {  	v7 =	vld [tilespmem:s19+$0x10]  }
0x13d: {  	[tilespmem:s21+$0xFFFFFFE0] =	vst v1;
	v1 =	vadd.f32 v6, v5;
	v5 =	vld [tilespmem:s21+$0x20]  }
0x13e: {  	v6 =	vld [tilespmem:s19+$0x20]  }
0x13f: {  	[tilespmem:s21+$0xFFFFFFF0] =	vst v1;
	v1 =	vadd.f32 v4, v2;
	v2 =	vld [tilespmem:s21+$0x30]  }
0x140: {  	v4 =	vld [tilespmem:s19+$0x30]  }
0x141: {  	[tilespmem:s21+$0x0] =	vst v1;
	v1 =	vadd.f32 v7, v3;
	v7 =	vld [tilespmem:s21+$0x40]  }
0x142: {  	v8 =	vld [tilespmem:s19+$0x40]  }
.Ltmp3:
0x143: {  	[tilespmem:s21+$0x10] =	vst v1;
	v5 =	vadd.f32 v6, v5;
	v1 =	vld [tilespmem:s21+$0x50];
	(pc) =	sbr.rel @p0 .LBB2_9-.Ltmp3, $4  }
0x144: {  	v3 =	vld [tilespmem:s19+$0x50]  }
0x145: {  	[tilespmem:s21+$0x20] =	vst v5;
	v6 =	vadd.f32 v4, v2;
	v2 =	vld [tilespmem:s21+$0x60]  }
0x146: {  	v5 =	vld [tilespmem:s19+$0x60]  }
0x147: {  	s21 =	sadd.s32 $0x100, s21;
	v4 =	vld [tilespmem:s18+$0xFFFFFF80];
	[tilespmem:s18+$0x30] =	vst v6;
	v6 =	vadd.f32 v8, v7  }
0x148: {  	_ = 	snop  }
0x149: {  	s16 =	sadd.s32 $0x1, s16  }
0x14a: {  	v1 =	vadd.f32 v3, v1;
	p0 =	sne.s32 s16, $0x8  }
.Ltmp4:
0x14b: {  	[tilespmem:s18+$0x40] =	vst v6;
	v2 =	vadd.f32 v5, v2;
	(pc) =	sbr.rel @p0 .LBB2_2-.Ltmp4, $4  }
0x14c: {  	[tilespmem:s18+$0x50] =	vst v1;
	v0 =	vadd.f32 v0, v4  }
0x14d: {  	[tilespmem:s18+$0x60] =	vst v2  }
0x14e: {  	s17 =	sadd.s32 s5, s17;
	[tilespmem:s18+$0xFFFFFF80] =	vst v0  }
0x14f: {  	[hbm4b:s17+s2] =	stream.linear.scatter [tilespmem:s8], [sflag:$0x4], $0x8000, $0x38;
	[tilespmem:$0x18000] =	vst v63  }
0x150: {  	s15 =	sadd.s32 $0x1, s15  }
0x151: {  	_ =	swait.ge [sflag:s12], $0x8000;
	p0 =	sne.s32 s15, s7  }
.Ltmp5:
0x152: {  	[sflag:s12] =	ssyncset.done $0x0;
	(pc) =	sbr.rel @p0 .LBB2_1-.Ltmp5, $4  }
0x153: {  	[sflag:s12] =	ssyncadd.s32 $0xFFFF8000  }
0x154: {  	_ =	swait.ge [sflag:s14], $0x8000  }
0x155: {  	[sflag:s14] =	ssyncset.done $0x0  }
0x156: {  	[sflag:s14] =	ssyncadd.s32 $0xFFFF8000  }
0x157: {  	_ =	sfence.sel $0x180000  }
0x158: {  	[bflag:$0x0] =	sbarrier.arrive $0xFFFF  }
0x159: {  	p0 =	sne.s32 s3, $0x0;
	_ =	strace $0x9000004D  }
0x15a: {  	s0 =	sadd.s32 @!p0 $0x100000, s0;
	[bflag:$0x2] =	sbarrier.arrive $0xFFFF  }
0x15b: {  	[sflag:s0] =	ssyncadd.tile.s32 @!p0 $0x1;
	_ =	shalt  }
.Lfunc_end2:
_tile_overlayer_lowered:
.L_overlay_start_2:
0x15c: {  	(tag) =	ssettag $0x2  }
0x15d: {  	s0 =	rddreg [dreg:$0x0];
	s2 =	stileid.u32  }
0x15e: {  	s1 =	rddreg [dreg:$0x1];
	p0 =	sne.s32 s2, $0x0  }
0x15f: {  	s3 =	rddreg [dreg:$0x2];
	[bflag:$0x3] =	sbarrier.arrive $0xFFFF;
	s2 =	simm.s32 @!p0 $0x1C05  }
0x160: {  	[timem:s3], [sflag:s2] =	dma.local @!p0 [hbm:s0], s1  }
0x161: {  	s0 =	simm.s32 @!p0 $0x5  }
0x162: {  	_ =	swait.ge @!p0 [sflag:s0], s1  }
0x163: {  	s1 =	ssub.s32 @!p0 $0x0, s1;
	[sflag:s0] =	ssyncset.done @!p0 $0x0  }
0x164: {  	[sflag:s0] =	ssyncadd.s32 @!p0 s1  }
0x165: {  	[bflag:$0x3] =	sbarrier.arrive $0xFFFF  }
0x166: {  	_ =	shalt  }

// kernel: sparse-core-data-format-call.1.cloned.1.call-start
scs
called_computation.1_lowered:
.L_overlay_start_0:
0x0: {  	s2 =	sld [smem:$0x3FD9]  }
0x1: {  	s3 =	sld [smem:$0x3FFE];
	_ =	sdelay $0x1  }
0x2: {  	s1 =	srdreg.scid  }
0x3: {  	s0 =	sand.u32 $0x1, s1  }
0x4: {  	s19 =	sshll.u32 s0, $0xA;
	s2 =	sadd.s32 s3, s2  }
0x5: {  	s2 =	sadd.s32 s2, s19  }
0x6: {  	[smem:$0x3FC6] =	sst s2  }
0x7: {  	_ = 	snop  }
0x8: {  	s20 =	sld [smem:$0x3FC9]  }
0x9: {  	s4 =	sld [smem:$0x3FD0];
	(tm) =	ssettm $0x1  }
0xa: {  	s21 =	sld [smem:$0x3FFB];
	_ =	sdelay $0x3  }
0xb: {  	_ =	strace s21  }
0xc: {  	s2 =	sld [smem:$0x3FFC];
	_ =	sdelay $0x3  }
0xd: {  	_ =	strace s2  }
0xe: {  	s2 =	sld [smem:$0x3FFD];
	_ =	sdelay $0x3  }
0xf: {  	_ =	strace s2  }
0x10: {  	_ =	strace $0x8FFFFFFF  }
0x11: {  	s22 =	sld [smem:$0x3FDB];
	_ =	sdelay $0x1  }
0x12: {  	s5 =	simm.s32 $_scs_section_size  }
0x13: {  	s6 =	simm.s32 $_size__tile_overlayer_lowered;
	s7 =	simm.s32 $_tile_overlayer_lowered  }
0x14: {  	s8 =	simm.s32 $0x1BFF;
	s23 =	sshll.u32 s7, $0x1;
	s5 =	sadd.s32 s5, s22  }
0x15: {  	s24 =	simm.s32 $0x0;
	s6 =	sshll.u32 s6, $0x1;
	s7 =	sadd.s32 s23, s5  }
0x16: {  	[timem:s24], [sflag:s8] =	dma.local [hbm:s7], s6  }
0x17: {  	_ =	swait.ge [sflag:s8], s6  }
0x18: {  	s6 =	ssub.s32 $0x0, s6;
	[sflag:s8] =	ssyncset.done $0x0  }
0x19: {  	[sflag:s8] =	ssyncadd.s32 s6;
	_ =	sdelay $0x1  }
0x1a: {  	s25 =	simm.s32 $0x1B8B  }
0x1b: {  	_ =	swait.ge [sflag:s25], $0x1  }
0x1c: {  	[sflag:s25] =	ssyncset.done $0x0  }
0x1d: {  	[sflag:s25] =	ssyncadd.s32 $0xFFFFFFFF  }
0x1e: {  	s6 =	sld [smem:$0x0]  }
0x1f: {  	s7 =	sand.u32 $0xFFFFFFFE, s1  }
0x20: {  	p0 =	sne.s32 s1, s7  }
0x21: {  	s7 =	sshll.u32 @p0 s7, $0xE  }
0x22: {  	s7 =	sadd.s32 @p0 $0x11B8D, s7;
	s8 =	sshll.u32 @p0 s6, $0x11  }
0x23: {  	s7 =	sor.u32 @p0 s8, s7  }
0x24: {  	[sflag:s7] =	ssyncadd.remote.s32 @p0 $0x1;
	_ =	sdelay $0x1  }
0x25: {  	s7 =	simm.s32 @p0 $0x1B8D  }
0x26: {  	_ =	swait.eq @p0 [sflag:s7], $0x1  }
0x27: {  	[sflag:s7] =	ssyncadd.s32 @p0 $0xFFFFFFFF  }
0x28: {  	s8 =	sshll.u32 @!p0 s1, $0xE  }
0x29: {  	s8 =	sor.u32 @!p0 $0x4000, s8;
	s7 =	simm.s32 @!p0 $0x1B8D  }
0x2a: {  	s6 =	sshll.u32 @!p0 s6, $0x11;
	s8 =	sadd.s32 @!p0 $0x11B8D, s8;
	_ =	swait.eq @!p0 [sflag:s7], $0x1  }
0x2b: {  	s6 =	sor.u32 @!p0 s6, s8;
	[sflag:s7] =	ssyncadd.s32 @!p0 $0xFFFFFFFF  }
0x2c: {  	s26 =	simm.s32 $0x1B8E;
	[sflag:s6] =	ssyncadd.remote.s32 @!p0 $0x1  }
0x2d: {  	s27 =	simm.s32 $execute0_lowered;
	[smem:$0x3FD2] =	sst s26  }
0x2e: {  	s6 =	sshll.u32 s27, $0x1;
	_ =	strace $0x80000049;
	[dreg:$0x1] =	wrdreg $0xFFFFFFFF  }
0x2f: {  	s28 =	simm.s32 $_size_execute0_lowered;
	s5 =	sadd.s32 s5, s6;
	[dreg:$0x0] =	wrdreg $0x0  }
0x30: {  	s6 =	sshll.u32 s28, $0x1;
	[dreg:$0x2] =	wrdreg s5  }
0x31: {  	[dreg:$0x3] =	wrdreg s6  }
0x32: {  	[dreg:$0x4] =	wrdreg $0xC0  }
0x33: {  	_ =	task [dreg:s24], $0x5FFFF  }
0x34: {  	[dreg:$0x1] =	wrdreg $0xFFFFFFFF  }
0x35: {  	[dreg:$0x0] =	wrdreg $0x60  }
0x36: {  	[dreg:$0x2] =	wrdreg s20  }
0x37: {  	[dreg:$0x3] =	wrdreg s4  }
0x38: {  	[dreg:$0x4] =	wrdreg $0xA  }
0x39: {  	_ =	task.clear_ibuf [dreg:s24], $0x5FFFF;
	_ =	strace $0x90000049  }
0x3a: {  	s29 =	simm.s32 $0xA;
	_ =	strace $0x8000004B  }
0x3b: {  	_ =	swait.ge [sflag:s29], $0x1  }
0x3c: {  	[sflag:s29] =	ssyncadd.s32 $0xFFFFFFFF  }
0x3d: {  	_ =	strace $0x9000004B  }
0x3e: {  	_ =	sfence  }
0x3f: {  	s30 =	sld [smem:$0x0];
	_ =	sdelay $0x2  }
0x40: {  	s31 =	sshll.u32 s1, $0xD;
	s1 =	sshrl.u32 s1, $0x2  }
0x41: {  	s4 =	sand.u32 $0x4000, s31;
	s1 =	sadd.s32 s1, s30  }
0x42: {  	s0 =	sor.u32 s4, s0;
	s1 =	sshll.u32 s1, $0x11  }
0x43: {  	s0 =	sor.u32 s1, s0  }
0x44: {  	s0 =	sadd.s32 $0x8F2B, s0  }
0x45: {  	[sflag:s0] =	ssyncadd.remote.s32 $0x1  }
0x46: {  	_ =	sfence.sel $0xFFFF  }
0x47: {  	[dreg:$0x0] =	wrdreg $0xFFFFFFFF;
	(pc) =	sbr.abs _section_cstart, $3  }
0x48: {  	[dreg:$0x1] =	wrdreg $0xFFFFFFFF  }
0x49: {  	_ =	task.clear_ibuf [dreg:s24], $0x2FFFF;
	_ =	strace $0x9FFFFFFF  }
0x4a: {  	(tm) =	ssettm $0x7FFFFFFF  }
0x4b: {  	_ =	shalt  }
tec
execute0_lowered:
.L_overlay_start_1:
0x0: {  	(tag) =	ssettag $0x1  }
0x1: {  	s0 =	srdreg.scid  }
0x2: {  	s1 =	sshll.u32 s0, $0x4  }
0x3: {  	s2 =	rddreg [dreg:$0x0];
	s0 =	stileid.u32;
	s1 =	sand.u32 $0x10, s1  }
0x4: {  	s4 =	rddreg [dreg:$0x1];
	s1 =	sor.u32 s0, s1  }
0x5: {  	s7 =	simm.s32 $0x1;
	s8 =	simm.s32 $0x2;
	s3 =	sshll.u32 s1, $0x1  }
0x6: {  	s9 =	simm.s32 $0x0;
	s12 =	simm.s32 $0x0;
	s6 =	ssub.s32 $0x1000, s3  }
.Ltmp0:
0x7: {  	s11 =	simm.s32 $0x0;
	s5 =	sand.u32 $0x3E, s6;
	(pc) =	sbr.rel .LBB1_1-.Ltmp0, $4  }
0x8: {  	s1 =	rddreg [dreg:$0x2];
	_ =	strace $0x8000004A;
	p0 =	sne.s32 s5, $0x0  }
0x9: {  	s6 =	sshrl.u32 s6, $0x6;
	s5 =	simm.s32 $0x1;
	s7 =	simm.s32 @!p0 $0x0  }
0xa: {  	s10 =	smov.u32 s3;
	[sflag:s5] =	ssyncpa.u1 $0x0;
	s6 =	sadd.s32 s7, s6  }
0xb: {  	[sflag:s8] =	ssyncpa.u1 $0x0;
	s8 =	simm.s32 $0x0;
	s7 =	sadd.s32 $0x1, s6  }
.LBB1_9:
0xc: {  	s14 =	sadd.s32 $0x40, s10  }
0xd: {  	p1 =	sgt.s32 s14, $0xFFF  }
0xe: {  	s14 =	smov.u32 @p1 s3;
	p1 =	sne.s32 s11, s7  }
.Ltmp1:
0xf: {  	p0 =	slt.u32 s11, $0x2;
	(pc) =	sbr.rel @!p1 .LBB1_10-.Ltmp1, $4  }
0x10: {  	s13 =	simm.s32 @!p0 $0x2  }
0x11: {  	s15 =	sadd.s32 $0x1, s11;
	_ =	swait.ge @!p0 [sflag:s13], $0x4000  }
0x12: {  	s12 =	smov.u32 s10;
	s9 =	sadd.s32 $0x4000, s9;
	[sflag:s13] =	ssyncset.done @!p0 $0x0  }
0x13: {  	s11 =	smov.u32 s15;
	s10 =	smov.u32 s14;
	[sflag:s13] =	ssyncadd.s32 @!p0 $0xFFFFC000  }
.LBB1_1:
0x14: {  	p0 =	sge.u32 s11, s6  }
0x15: {  	s13 =	sxor.u32 @!p0 $0xFFFFFFFF, s11  }
0x16: {  	s31 =	sadd.s32 $0xFFFFFFFF, s11;
	s14 =	sshll.u32 @!p0 s10, $0xA;
	s13 =	sshll.u32 @!p0 s13, $0xE  }
0x17: {  	s15 =	simm.s32 @!p0 $0x0;
	s14 =	sadd.s32 @!p0 s2, s14;
	s13 =	sand.u32 @!p0 $0x4000, s13  }
0x18: {  	[tilespmem:s13], [sflag:$0x1] =	stream.linear.gather @!p0 [hbm4b:s14+s15], $0x4000, $0x38;
	[tilespmem:$0x10000] =	vst v63  }
0x19: {  	p0 =	sge.u32 s31, s6  }
.Ltmp2:
0x1a: {  	_ = 	snop;
	(pc) =	sbr.rel @p0 .LBB1_9-.Ltmp2, $1  }
0x1b: {  	_ =	sdelay $0x3  }
0x1c: {  	s13 =	sshll.u32 s9, $0x2  }
0x1d: {  	_ =	swait.ge [sflag:s5], $0x4000;
	s14 =	sshll.u32 s11, $0xE;
	s16 =	simm.s32 $0x0  }
0x1e: {  	p1 =	por $0x1, $0x1;
	s13 =	sand.u32 $0x10000, s13;
	[sflag:s5] =	ssyncset.done $0x0  }
0x1f: {  	s14 =	sand.u32 $0x4000, s14;
	s15 =	sshrl.u32 s13, $0x2;
	[sflag:s5] =	ssyncadd.s32 $0xFFFFC000  }
0x20: {  	s13 =	sor.u32 $0x8000, s14;
	s14 =	sadd.s32 $0x8040, s15;
	s15 =	sadd.s32 $0x40, s15  }
.LBB1_3:
0x21: {  	s16 =	sshll.u32 s16, $0x2  }
0x22: {  	p0 =	por p1, p1;
	s17 =	sshra.s32 s16, $0x2  }
0x23: {  	s18 =	simm.s32 $0x0;
	s16 =	sadd.s32 s17, s14;
	s17 =	sadd.s32 s17, s15  }
.LBB1_4:
0x24: {  	v0 =	vmov s17;
	_ =	sdelay $0x3  }
0x25: {  	s20 =	simm.s32 $0x0  }
0x26: {  	v6 =	vld.idx.msk [tilespmem:v0+s20+$0x30 ss:$0x1], $0xffff  }
0x27: {  	v7 =	vld.idx.msk [tilespmem:v0+s20+$0xFFFFFFC0 ss:$0x1], $0xffff  }
0x28: {  	v5 =	vld.idx.msk [tilespmem:v0+s20+$0xFFFFFFD0 ss:$0x1], $0xffff  }
0x29: {  	v4 =	vld.idx.msk [tilespmem:v0+s20+$0xFFFFFFE0 ss:$0x1], $0xffff  }
0x2a: {  	v3 =	vld.idx.msk [tilespmem:v0+s20+$0xFFFFFFF0 ss:$0x1], $0xffff  }
0x2b: {  	v1 =	vld.idx.msk [tilespmem:v0+s20+$0x0 ss:$0x1], $0xffff  }
0x2c: {  	v2 =	vld.idx.msk [tilespmem:v0+s20+$0x10 ss:$0x1], $0xffff;
	[tilespmem:s16+$0x30] =	vst v6  }
0x2d: {  	s19 =	simm.s32 $0x80;
	s21 =	simm.s32 $0x400;
	[tilespmem:s16+$0xFFFFFFC0] =	vst v7;
	v6 =	vld.idx.msk [tilespmem:v0+s20+$0x20 ss:$0x1], $0xffff;
	s20 =	smov.u32 s16  }
.LBB1_5:
0x2e: {  	p1 =	sne.s32 s21, $0xE00;
	v7 =	vld.idx.msk [tilespmem:v0+s19+$0x30 ss:$0x1], $0xffff;
	[tilespmem:s20+$0xFFFFFFD0] =	vst v5  }
0x2f: {  	v8 =	vld.idx.msk [tilespmem:v0+s19+$0xFFFFFFC0 ss:$0x1], $0xffff;
	[tilespmem:s20+$0xFFFFFFE0] =	vst v4  }
0x30: {  	v5 =	vld.idx.msk [tilespmem:v0+s19+$0xFFFFFFD0 ss:$0x1], $0xffff;
	[tilespmem:s20+$0xFFFFFFF0] =	vst v3  }
.Ltmp3:
0x31: {  	v4 =	vld.idx.msk [tilespmem:v0+s19+$0xFFFFFFE0 ss:$0x1], $0xffff;
	[tilespmem:s20+$0x0] =	vst v1;
	(pc) =	sbr.rel @p1 .LBB1_5-.Ltmp3, $4  }
0x32: {  	v3 =	vld.idx.msk [tilespmem:v0+s19+$0xFFFFFFF0 ss:$0x1], $0xffff;
	[tilespmem:s20+$0x10] =	vst v2  }
0x33: {  	v1 =	vld.idx.msk [tilespmem:v0+s19+$0x0 ss:$0x1], $0xffff;
	[tilespmem:s20+$0x20] =	vst v6;
	s20 =	sadd.s32 $0x400, s20  }
0x34: {  	v2 =	vld.idx.msk [tilespmem:v0+s19+$0x10 ss:$0x1], $0xffff;
	[tilespmem:s20+$0x30] =	vst v7  }
0x35: {  	[tilespmem:s20+$0xFFFFFFC0] =	vst v8;
	v6 =	vld.idx.msk [tilespmem:v0+s19+$0x20 ss:$0x1], $0xffff;
	s19 =	sshra.s32 s21, $0x2;
	s21 =	sadd.s32 $0x200, s21  }
0x36: {  	_ =	sdelay $0x2  }
0x37: {  	[tilespmem:s20+$0xFFFFFFD0] =	vst v5  }
0x38: {  	v56 =	vld.idx.msk [tilespmem:v0+s19+$0x30 ss:$0x1], $0xffff;
	[tilespmem:s20+$0xFFFFFFE0] =	vst v4  }
0x39: {  	v57 =	vld.idx.msk [tilespmem:v0+s19+$0xFFFFFFC0 ss:$0x1], $0xffff;
	[tilespmem:s20+$0xFFFFFFF0] =	vst v3  }
0x3a: {  	v58 =	vld.idx.msk [tilespmem:v0+s19+$0xFFFFFFD0 ss:$0x1], $0xffff;
	[tilespmem:s20+$0x0] =	vst v1  }
0x3b: {  	v59 =	vld.idx.msk [tilespmem:v0+s19+$0xFFFFFFE0 ss:$0x1], $0xffff;
	[tilespmem:s20+$0x10] =	vst v2  }
0x3c: {  	v60 =	vld.idx.msk [tilespmem:v0+s19+$0xFFFFFFF0 ss:$0x1], $0xffff;
	s31 =	sadd.s32 $0x400, s20;
	[tilespmem:s20+$0x20] =	vst v6  }
0x3d: {  	v61 =	vld.idx.msk [tilespmem:v0+s19+$0x0 ss:$0x1], $0xffff;
	[tilespmem:s31+$0x30] =	vst v56  }
0x3e: {  	v62 =	vld.idx.msk [tilespmem:v0+s19+$0x10 ss:$0x1], $0xffff;
	s18 =	sadd.s32 $0x1, s18;
	[tilespmem:s31+$0xFFFFFFC0] =	vst v57  }
0x3f: {  	v63 =	vld.idx.msk [tilespmem:v0+s19+$0x20 ss:$0x1], $0xffff;
	p1 =	sne.s32 s18, $0x8;
	[tilespmem:s31+$0xFFFFFFD0] =	vst v58  }
.Ltmp4:
0x40: {  	[tilespmem:s31+$0xFFFFFFE0] =	vst v59;
	(pc) =	sbr.rel @p1 .LBB1_4-.Ltmp4, $4  }
0x41: {  	[tilespmem:s31+$0xFFFFFFF0] =	vst v60  }
0x42: {  	[tilespmem:s31+$0x0] =	vst v61  }
0x43: {  	[tilespmem:s31+$0x10] =	vst v62  }
0x44: {  	s16 =	sadd.s32 $0x80, s16;
	s17 =	sadd.s32 $0x400, s17;
	[tilespmem:s31+$0x20] =	vst v63  }
.Ltmp5:
0x45: {  	(pc) =	sbr.rel @p0 .LBB1_3-.Ltmp5, $2  }
0x46: {  	_ =	sdelay $0x2  }
0x47: {  	s16 =	simm.s32 $0x2000;
	p1 =	por $0x0, $0x0  }
.Ltmp6:
0x48: {  	(pc) =	sbr.rel .LBB1_9-.Ltmp6, $4  }
0x49: {  	_ = 	snop  }
0x4a: {  	s12 =	sshll.u32 s12, $0xA  }
0x4b: {  	s12 =	sadd.s32 s4, s12  }
0x4c: {  	[hbm4b:s12+s8] =	stream.linear.scatter [tilespmem:s13], [sflag:$0x2], $0x4000, $0x38;
	[tilespmem:$0x10000] =	vst v63  }
.LBB1_10:
0x4d: {  	_ =	sfence.sel $0x180000  }
0x4e: {  	s2 =	simm.s32 $0x1;
	[bflag:$0x0] =	sbarrier.arrive $0xFFFF  }
0x4f: {  	s31 =	simm.s32 $0x2;
	[sflag:s2] =	ssyncpa.u1 $0x1  }
0x50: {  	[sflag:s31] =	ssyncpa.u1 $0x1  }
0x51: {  	p0 =	sne.s32 s0, $0x0;
	_ =	strace $0x9000004A  }
0x52: {  	s0 =	sadd.s32 @!p0 $0x100000, s1;
	[bflag:$0x2] =	sbarrier.arrive $0xFFFF  }
0x53: {  	[sflag:s0] =	ssyncadd.tile.s32 @!p0 $0x1;
	_ =	shalt  }
.Lfunc_end1:
_tile_overlayer_lowered:
.L_overlay_start_2:
0x54: {  	(tag) =	ssettag $0x2  }
0x55: {  	s0 =	rddreg [dreg:$0x0];
	s2 =	stileid.u32  }
0x56: {  	s1 =	rddreg [dreg:$0x1];
	p0 =	sne.s32 s2, $0x0  }
0x57: {  	s3 =	rddreg [dreg:$0x2];
	[bflag:$0x3] =	sbarrier.arrive $0xFFFF;
	s2 =	simm.s32 @!p0 $0x1C01  }
0x58: {  	[timem:s3], [sflag:s2] =	dma.local @!p0 [hbm:s0], s1  }
0x59: {  	s0 =	simm.s32 @!p0 $0x1  }
0x5a: {  	_ =	swait.ge @!p0 [sflag:s0], s1  }
0x5b: {  	s1 =	ssub.s32 @!p0 $0x0, s1;
	[sflag:s0] =	ssyncset.done @!p0 $0x0  }
0x5c: {  	[sflag:s0] =	ssyncadd.s32 @!p0 s1  }
0x5d: {  	[bflag:$0x3] =	sbarrier.arrive $0xFFFF  }
0x5e: {  	_ =	shalt  }

// kernel: sparse-core-data-format-call.cloned.1.call-start
scs
called_computation_lowered:
.L_overlay_start_0:
0x0: {  	s2 =	sld [smem:$0x3FD9]  }
0x1: {  	s3 =	sld [smem:$0x3FFE];
	_ =	sdelay $0x1  }
0x2: {  	s1 =	srdreg.scid  }
0x3: {  	s0 =	sand.u32 $0x1, s1  }
0x4: {  	s18 =	sshll.u32 s0, $0xA;
	s2 =	sadd.s32 s3, s2  }
0x5: {  	s2 =	sadd.s32 s2, s18  }
0x6: {  	[smem:$0x3FC6] =	sst s2  }
0x7: {  	_ = 	snop  }
0x8: {  	s2 =	sld [smem:$0x3FC8];
	(tm) =	ssettm $0x1  }
0x9: {  	s19 =	sld [smem:$0x3FFB];
	_ =	sdelay $0x3  }
0xa: {  	_ =	strace s19  }
0xb: {  	s3 =	sld [smem:$0x3FFC];
	_ =	sdelay $0x3  }
0xc: {  	_ =	strace s3  }
0xd: {  	s3 =	sld [smem:$0x3FFD];
	_ =	sdelay $0x3  }
0xe: {  	_ =	strace s3  }
0xf: {  	_ =	strace $0x8FFFFFFF  }
0x10: {  	s20 =	sld [smem:$0x3FDB];
	_ =	sdelay $0x1  }
0x11: {  	s4 =	simm.s32 $_scs_section_size  }
0x12: {  	s5 =	simm.s32 $_size__tile_overlayer_lowered;
	s6 =	simm.s32 $_tile_overlayer_lowered  }
0x13: {  	s23 =	simm.s32 $0x1BFF;
	s22 =	sshll.u32 s6, $0x1;
	s3 =	sadd.s32 s4, s20  }
0x14: {  	s7 =	simm.s32 $0x0;
	s21 =	sshll.u32 s5, $0x1;
	s5 =	sadd.s32 s22, s3  }
0x15: {  	[timem:s7], [sflag:s23] =	dma.local [hbm:s5], s21  }
0x16: {  	_ =	swait.ge [sflag:s23], s21  }
0x17: {  	s4 =	ssub.s32 $0x0, s21;
	[sflag:s23] =	ssyncset.done $0x0  }
0x18: {  	[sflag:s23] =	ssyncadd.s32 s4;
	_ =	sdelay $0x1  }
0x19: {  	s24 =	simm.s32 $0x1B8B  }
0x1a: {  	_ =	swait.ge [sflag:s24], $0x1  }
0x1b: {  	[sflag:s24] =	ssyncset.done $0x0  }
0x1c: {  	s26 =	simm.s32 $0x1B8E;
	s25 =	sld [smem:$0x3FFE];
	[sflag:s24] =	ssyncadd.s32 $0xFFFFFFFF  }
0x1d: {  	s27 =	simm.s32 $execute0_lowered;
	[smem:$0x3FD2] =	sst s26  }
0x1e: {  	s5 =	sshll.u32 s27, $0x1;
	_ =	strace $0x80000046;
	[dreg:$0x1] =	wrdreg $0xFFFFFFFF  }
0x1f: {  	s28 =	simm.s32 $_size_execute0_lowered;
	s3 =	sadd.s32 s3, s5;
	[dreg:$0x0] =	wrdreg $0x0  }
0x20: {  	s5 =	sshll.u32 s28, $0x1;
	[dreg:$0x2] =	wrdreg s3  }
0x21: {  	[dreg:$0x3] =	wrdreg s5  }
0x22: {  	[dreg:$0x4] =	wrdreg $0xC0  }
0x23: {  	_ =	task [dreg:s7], $0x5FFFF  }
0x24: {  	[dreg:$0x1] =	wrdreg $0xFFFFFFFF  }
0x25: {  	[dreg:$0x0] =	wrdreg $0x60  }
0x26: {  	[dreg:$0x2] =	wrdreg s2  }
0x27: {  	[dreg:$0x3] =	wrdreg s25  }
0x28: {  	[dreg:$0x4] =	wrdreg $0x9  }
0x29: {  	_ =	task.clear_ibuf [dreg:s7], $0x5FFFF;
	_ =	strace $0x90000046  }
0x2a: {  	s29 =	simm.s32 $0x9;
	_ =	strace $0x80000048  }
0x2b: {  	_ =	swait.ge [sflag:s29], $0x1  }
0x2c: {  	[sflag:s29] =	ssyncadd.s32 $0xFFFFFFFF  }
0x2d: {  	_ =	strace $0x90000048  }
0x2e: {  	_ =	sfence  }
0x2f: {  	s30 =	sld [smem:$0x0];
	_ =	sdelay $0x2  }
0x30: {  	s31 =	sshll.u32 s1, $0xD;
	s1 =	sshrl.u32 s1, $0x2  }
0x31: {  	s3 =	sand.u32 $0x4000, s31;
	s1 =	sadd.s32 s1, s30  }
0x32: {  	s0 =	sor.u32 s3, s0;
	s1 =	sshll.u32 s1, $0x11  }
0x33: {  	s0 =	sor.u32 s1, s0  }
0x34: {  	s0 =	sadd.s32 $0x8F2B, s0  }
0x35: {  	[sflag:s0] =	ssyncadd.remote.s32 $0x1  }
0x36: {  	_ =	sfence.sel $0xFFFF  }
0x37: {  	[dreg:$0x0] =	wrdreg $0xFFFFFFFF;
	(pc) =	sbr.abs _section_cstart, $3  }
0x38: {  	[dreg:$0x1] =	wrdreg $0xFFFFFFFF  }
0x39: {  	_ =	task.clear_ibuf [dreg:s7], $0x2FFFF;
	_ =	strace $0x9FFFFFFF  }
0x3a: {  	(tm) =	ssettm $0x7FFFFFFF  }
0x3b: {  	_ =	shalt  }
tec
execute0_lowered:
.L_overlay_start_1:
0x0: {  	(tag) =	ssettag $0x1  }
0x1: {  	s0 =	srdreg.scid  }
0x2: {  	s1 =	sshll.u32 s0, $0x4  }
0x3: {  	s2 =	rddreg [dreg:$0x0];
	s0 =	stileid.u32;
	s1 =	sand.u32 $0x10, s1  }
0x4: {  	s4 =	rddreg [dreg:$0x1];
	s7 =	simm.s32 $0x1;
	s1 =	sor.u32 s0, s1  }
0x5: {  	s8 =	simm.s32 $0x2;
	s9 =	simm.s32 $0x0;
	s3 =	sshll.u32 s1, $0x1  }
0x6: {  	s12 =	simm.s32 $0x0;
	s11 =	simm.s32 $0x0;
	s6 =	ssub.s32 $0x400, s3  }
.Ltmp0:
0x7: {  	s4 =	sadd.s32 $0xC00, s4;
	s5 =	sand.u32 $0x3E, s6;
	(pc) =	sbr.rel .LBB1_1-.Ltmp0, $4  }
0x8: {  	s1 =	rddreg [dreg:$0x2];
	_ =	strace $0x80000047;
	p0 =	sne.s32 s5, $0x0  }
0x9: {  	s6 =	sshrl.u32 s6, $0x6;
	s5 =	simm.s32 $0x1;
	s7 =	simm.s32 @!p0 $0x0  }
0xa: {  	s10 =	smov.u32 s3;
	[sflag:s5] =	ssyncpa.u1 $0x0;
	s6 =	sadd.s32 s7, s6  }
0xb: {  	[sflag:s8] =	ssyncpa.u1 $0x0;
	s8 =	simm.s32 $0x0;
	s7 =	sadd.s32 $0x1, s6  }
.LBB1_9:
0xc: {  	s14 =	sadd.s32 $0x40, s10  }
0xd: {  	p1 =	sgt.s32 s14, $0x3FF  }
0xe: {  	s14 =	smov.u32 @p1 s3;
	p1 =	sne.s32 s11, s7  }
.Ltmp1:
0xf: {  	p0 =	slt.u32 s11, $0x2;
	(pc) =	sbr.rel @!p1 .LBB1_10-.Ltmp1, $4  }
0x10: {  	s13 =	simm.s32 @!p0 $0x2  }
0x11: {  	s15 =	sadd.s32 $0x1, s11;
	_ =	swait.ge @!p0 [sflag:s13], $0x4000  }
0x12: {  	s12 =	smov.u32 s10;
	s9 =	sadd.s32 $0x4000, s9;
	[sflag:s13] =	ssyncset.done @!p0 $0x0  }
0x13: {  	s11 =	smov.u32 s15;
	s10 =	smov.u32 s14;
	[sflag:s13] =	ssyncadd.s32 @!p0 $0xFFFFC000  }
.LBB1_1:
0x14: {  	p0 =	sge.u32 s11, s6  }
0x15: {  	s13 =	sxor.u32 @!p0 $0xFFFFFFFF, s11  }
0x16: {  	s31 =	sadd.s32 $0xFFFFFFFF, s11;
	s14 =	sshll.u32 @!p0 s10, $0xA;
	s13 =	sshll.u32 @!p0 s13, $0xE  }
0x17: {  	s15 =	simm.s32 @!p0 $0x0;
	s14 =	sadd.s32 @!p0 s2, s14;
	s13 =	sand.u32 @!p0 $0x4000, s13  }
0x18: {  	[tilespmem:s13], [sflag:$0x1] =	stream.linear.gather @!p0 [hbm4b:s14+s15], $0x4000, $0x38;
	[tilespmem:$0x10000] =	vst v63  }
0x19: {  	p0 =	sge.u32 s31, s6  }
.Ltmp2:
0x1a: {  	_ = 	snop;
	(pc) =	sbr.rel @p0 .LBB1_9-.Ltmp2, $1  }
0x1b: {  	_ =	sdelay $0x3  }
0x1c: {  	s13 =	sshll.u32 s9, $0x2  }
0x1d: {  	_ =	swait.ge [sflag:s5], $0x4000;
	s14 =	sshll.u32 s11, $0xE;
	s16 =	simm.s32 $0x0  }
0x1e: {  	p1 =	por $0x1, $0x1;
	s13 =	sand.u32 $0x10000, s13;
	[sflag:s5] =	ssyncset.done $0x0  }
0x1f: {  	s14 =	sand.u32 $0x4000, s14;
	s15 =	sshrl.u32 s13, $0x2;
	[sflag:s5] =	ssyncadd.s32 $0xFFFFC000  }
0x20: {  	s13 =	sor.u32 $0x8000, s14;
	s14 =	sadd.s32 $0x8040, s15;
	s15 =	sadd.s32 $0x40, s15  }
.LBB1_3:
0x21: {  	s16 =	sshll.u32 s16, $0x2  }
0x22: {  	p0 =	por p1, p1;
	s17 =	sshra.s32 s16, $0x2  }
0x23: {  	s18 =	simm.s32 $0x0;
	s16 =	sadd.s32 s17, s14;
	s17 =	sadd.s32 s17, s15  }
.LBB1_4:
0x24: {  	v0 =	vmov s17;
	_ =	sdelay $0x3  }
0x25: {  	s20 =	simm.s32 $0x0  }
0x26: {  	v6 =	vld.idx.msk [tilespmem:v0+s20+$0x30 ss:$0x1], $0xffff  }
0x27: {  	v7 =	vld.idx.msk [tilespmem:v0+s20+$0xFFFFFFC0 ss:$0x1], $0xffff  }
0x28: {  	v5 =	vld.idx.msk [tilespmem:v0+s20+$0xFFFFFFD0 ss:$0x1], $0xffff  }
0x29: {  	v4 =	vld.idx.msk [tilespmem:v0+s20+$0xFFFFFFE0 ss:$0x1], $0xffff  }
0x2a: {  	v3 =	vld.idx.msk [tilespmem:v0+s20+$0xFFFFFFF0 ss:$0x1], $0xffff  }
0x2b: {  	v1 =	vld.idx.msk [tilespmem:v0+s20+$0x0 ss:$0x1], $0xffff  }
0x2c: {  	v2 =	vld.idx.msk [tilespmem:v0+s20+$0x10 ss:$0x1], $0xffff;
	[tilespmem:s16+$0x30] =	vst v6  }
0x2d: {  	s19 =	simm.s32 $0x80;
	s21 =	simm.s32 $0x400;
	[tilespmem:s16+$0xFFFFFFC0] =	vst v7;
	v6 =	vld.idx.msk [tilespmem:v0+s20+$0x20 ss:$0x1], $0xffff;
	s20 =	smov.u32 s16  }
.LBB1_5:
0x2e: {  	p1 =	sne.s32 s21, $0xE00;
	v7 =	vld.idx.msk [tilespmem:v0+s19+$0x30 ss:$0x1], $0xffff;
	[tilespmem:s20+$0xFFFFFFD0] =	vst v5  }
0x2f: {  	v8 =	vld.idx.msk [tilespmem:v0+s19+$0xFFFFFFC0 ss:$0x1], $0xffff;
	[tilespmem:s20+$0xFFFFFFE0] =	vst v4  }
0x30: {  	v5 =	vld.idx.msk [tilespmem:v0+s19+$0xFFFFFFD0 ss:$0x1], $0xffff;
	[tilespmem:s20+$0xFFFFFFF0] =	vst v3  }
.Ltmp3:
0x31: {  	v4 =	vld.idx.msk [tilespmem:v0+s19+$0xFFFFFFE0 ss:$0x1], $0xffff;
	[tilespmem:s20+$0x0] =	vst v1;
	(pc) =	sbr.rel @p1 .LBB1_5-.Ltmp3, $4  }
0x32: {  	v3 =	vld.idx.msk [tilespmem:v0+s19+$0xFFFFFFF0 ss:$0x1], $0xffff;
	[tilespmem:s20+$0x10] =	vst v2  }
0x33: {  	v1 =	vld.idx.msk [tilespmem:v0+s19+$0x0 ss:$0x1], $0xffff;
	[tilespmem:s20+$0x20] =	vst v6;
	s20 =	sadd.s32 $0x400, s20  }
0x34: {  	v2 =	vld.idx.msk [tilespmem:v0+s19+$0x10 ss:$0x1], $0xffff;
	[tilespmem:s20+$0x30] =	vst v7  }
0x35: {  	[tilespmem:s20+$0xFFFFFFC0] =	vst v8;
	v6 =	vld.idx.msk [tilespmem:v0+s19+$0x20 ss:$0x1], $0xffff;
	s19 =	sshra.s32 s21, $0x2;
	s21 =	sadd.s32 $0x200, s21  }
0x36: {  	_ =	sdelay $0x2  }
0x37: {  	[tilespmem:s20+$0xFFFFFFD0] =	vst v5  }
0x38: {  	v56 =	vld.idx.msk [tilespmem:v0+s19+$0x30 ss:$0x1], $0xffff;
	[tilespmem:s20+$0xFFFFFFE0] =	vst v4  }
0x39: {  	v57 =	vld.idx.msk [tilespmem:v0+s19+$0xFFFFFFC0 ss:$0x1], $0xffff;
	[tilespmem:s20+$0xFFFFFFF0] =	vst v3  }
0x3a: {  	v58 =	vld.idx.msk [tilespmem:v0+s19+$0xFFFFFFD0 ss:$0x1], $0xffff;
	[tilespmem:s20+$0x0] =	vst v1  }
0x3b: {  	v59 =	vld.idx.msk [tilespmem:v0+s19+$0xFFFFFFE0 ss:$0x1], $0xffff;
	[tilespmem:s20+$0x10] =	vst v2  }
0x3c: {  	v60 =	vld.idx.msk [tilespmem:v0+s19+$0xFFFFFFF0 ss:$0x1], $0xffff;
	s31 =	sadd.s32 $0x400, s20;
	[tilespmem:s20+$0x20] =	vst v6  }
0x3d: {  	v61 =	vld.idx.msk [tilespmem:v0+s19+$0x0 ss:$0x1], $0xffff;
	[tilespmem:s31+$0x30] =	vst v56  }
0x3e: {  	v62 =	vld.idx.msk [tilespmem:v0+s19+$0x10 ss:$0x1], $0xffff;
	s18 =	sadd.s32 $0x1, s18;
	[tilespmem:s31+$0xFFFFFFC0] =	vst v57  }
0x3f: {  	v63 =	vld.idx.msk [tilespmem:v0+s19+$0x20 ss:$0x1], $0xffff;
	p1 =	sne.s32 s18, $0x8;
	[tilespmem:s31+$0xFFFFFFD0] =	vst v58  }
.Ltmp4:
0x40: {  	[tilespmem:s31+$0xFFFFFFE0] =	vst v59;
	(pc) =	sbr.rel @p1 .LBB1_4-.Ltmp4, $4  }
0x41: {  	[tilespmem:s31+$0xFFFFFFF0] =	vst v60  }
0x42: {  	[tilespmem:s31+$0x0] =	vst v61  }
0x43: {  	[tilespmem:s31+$0x10] =	vst v62  }
0x44: {  	s16 =	sadd.s32 $0x80, s16;
	s17 =	sadd.s32 $0x400, s17;
	[tilespmem:s31+$0x20] =	vst v63  }
.Ltmp5:
0x45: {  	(pc) =	sbr.rel @p0 .LBB1_3-.Ltmp5, $2  }
0x46: {  	_ =	sdelay $0x2  }
0x47: {  	s16 =	simm.s32 $0x2000;
	p1 =	por $0x0, $0x0  }
.Ltmp6:
0x48: {  	(pc) =	sbr.rel .LBB1_9-.Ltmp6, $4  }
0x49: {  	_ = 	snop  }
0x4a: {  	s12 =	sshll.u32 s12, $0xA  }
0x4b: {  	s12 =	sadd.s32 s4, s12  }
0x4c: {  	[hbm4b:s12+s8] =	stream.linear.scatter [tilespmem:s13], [sflag:$0x2], $0x4000, $0x38;
	[tilespmem:$0x10000] =	vst v63  }
.LBB1_10:
0x4d: {  	_ =	sfence.sel $0x180000  }
0x4e: {  	s2 =	simm.s32 $0x1;
	[bflag:$0x0] =	sbarrier.arrive $0xFFFF  }
0x4f: {  	s31 =	simm.s32 $0x2;
	[sflag:s2] =	ssyncpa.u1 $0x1  }
0x50: {  	[sflag:s31] =	ssyncpa.u1 $0x1  }
0x51: {  	p0 =	sne.s32 s0, $0x0;
	_ =	strace $0x90000047  }
0x52: {  	s0 =	sadd.s32 @!p0 $0x100000, s1;
	[bflag:$0x2] =	sbarrier.arrive $0xFFFF  }
0x53: {  	[sflag:s0] =	ssyncadd.tile.s32 @!p0 $0x1;
	_ =	shalt  }
.Lfunc_end1:
_tile_overlayer_lowered:
.L_overlay_start_2:
0x54: {  	(tag) =	ssettag $0x2  }
0x55: {  	s0 =	rddreg [dreg:$0x0];
	s2 =	stileid.u32  }
0x56: {  	s1 =	rddreg [dreg:$0x1];
	p0 =	sne.s32 s2, $0x0  }
0x57: {  	s3 =	rddreg [dreg:$0x2];
	[bflag:$0x3] =	sbarrier.arrive $0xFFFF;
	s2 =	simm.s32 @!p0 $0x1C01  }
0x58: {  	[timem:s3], [sflag:s2] =	dma.local @!p0 [hbm:s0], s1  }
0x59: {  	s0 =	simm.s32 @!p0 $0x1  }
0x5a: {  	_ =	swait.ge @!p0 [sflag:s0], s1  }
0x5b: {  	s1 =	ssub.s32 @!p0 $0x0, s1;
	[sflag:s0] =	ssyncset.done @!p0 $0x0  }
0x5c: {  	[sflag:s0] =	ssyncadd.s32 @!p0 s1  }
0x5d: {  	[bflag:$0x3] =	sbarrier.arrive $0xFFFF  }
0x5e: {  	_ =	shalt  }

</sc_bundles>
